<compile_context>
chip_gen: v7x
topology: tpu7x:2x2x1
jax: 0.10.2.dev20260603
libtpu: 0.0.44.dev20260713+nightly
codegen_flags: <defaults>
</compile_context>

<pallas_src>
import functools

import jax
import jax.numpy as jnp
from jax import lax
from jax.experimental import pallas as pl
from jax.experimental.pallas import tpu as pltpu
from jax.experimental.pallas import tpu_sc as plsc

N_IDENT = 10000
D = 128
N_SYM = 8192
N_EXPR = 2048
MAX_TOK = 64
N_APP = 320000
N_TAB = N_EXPR * MAX_TOK

NC, NS = 2, 16
NW = NC * NS
CHUNK = 128
STEPS = -(-N_APP // (NW * CHUNK))
N_PAD = NW * CHUNK * STEPS
ACC_ROWS = N_SYM + CHUNK
ZROWS = ACC_ROWS // NS
IDENT_STEPS = N_SYM // (NW * CHUNK)

NBUF = 3
RING = 8


def _sc_body(expr_tab, ident_tab, idx_hbm, ident_idx, zrows,
             a_out, part_out,
             ring, iv, dbuf, acc, sem, isem, gsem):
    cid = lax.axis_index("c")
    sid = lax.axis_index("s")
    wid = cid * NS + sid

    pltpu.sync_copy(zrows, acc.at[pl.ds(sid * ZROWS, ZROWS)])

    pltpu.sync_copy(ident_idx.at[wid], iv)
    for r in range(IDENT_STEPS):
        pltpu.async_copy(ident_tab.at[iv.at[r]], dbuf.at[pl.ds(0, CHUNK)],
                         sem).wait()
        pltpu.sync_copy(dbuf.at[pl.ds(0, CHUNK)],
                        a_out.at[pl.ds(wid * CHUNK * IDENT_STEPS
                                       + r * CHUNK, CHUNK)])

    plsc.subcore_barrier()

    K = NBUF - 1
    P = RING - 1

    def islot(j):
        return ring.at[lax.rem(j, RING)]

    def isrc(j):
        return idx_hbm.at[wid, j]

    def buf(j):
        return dbuf.at[pl.ds(lax.rem(j, NBUF) * CHUNK, CHUNK)]

    def start_g(j):
        pltpu.async_copy(expr_tab.at[islot(j).at[0]], buf(j), gsem)

    for j in range(P):
        pltpu.async_copy(isrc(j), islot(j), isem)
    for j in range(K):
        pltpu.make_async_copy(isrc(j), islot(j), isem).wait()
        start_g(j)

    def step(j, _):
        @pl.when(j + K < STEPS)
        def _():
            pltpu.make_async_copy(isrc(j + K), islot(j + K), isem).wait()

        @pl.when(j + P < STEPS)
        def _():
            pltpu.async_copy(isrc(j + P), islot(j + P), isem)

        pltpu.make_async_copy(expr_tab.at[islot(j).at[0]], buf(j),
                              gsem).wait()

        @pl.when(j + K < STEPS)
        def _():
            start_g(j + K)

        pltpu.sync_copy(buf(j), acc.at[islot(j).at[1]], add=True)
        return 0

    lax.fori_loop(0, STEPS, step, 0)

    plsc.subcore_barrier()

    rows = N_SYM // NS
    pltpu.sync_copy(acc.at[pl.ds(sid * rows, rows)],
                    part_out.at[cid, pl.ds(sid * rows, rows)])


_sc_kernel = functools.partial(
    pl.kernel,
    out_type=[
        jax.ShapeDtypeStruct((N_SYM, D), jnp.float32),
        jax.ShapeDtypeStruct((NC, N_SYM, D), jnp.float32),
    ],
    mesh=plsc.VectorSubcoreMesh(core_axis_name="c", subcore_axis_name="s"),
    scratch_types=[
        pltpu.VMEM((RING, 2, CHUNK), jnp.int32),
        pltpu.VMEM((IDENT_STEPS, CHUNK), jnp.int32),
        pltpu.VMEM((NBUF * CHUNK, D), jnp.float32),
        pltpu.VMEM_SHARED((ACC_ROWS, D), jnp.float32),
        pltpu.SemaphoreType.DMA,
        pltpu.SemaphoreType.DMA,
        pltpu.SemaphoreType.DMA,
    ],
)(_sc_body)


def _tc_body(a_ref, s0_ref, s1_ref, w_ref, o_ref):
    w = w_ref[...]
    y = lax.dot_general(a_ref[...], w[:, :D], (((1,), (1,)), ((), ())),
                        preferred_element_type=jnp.float32)
    y += lax.dot_general(s0_ref[...] + s1_ref[...], w[:, D:],
                         (((1,), (1,)), ((), ())),
                         preferred_element_type=jnp.float32)
    o_ref[...] = jnp.maximum(y, 0.0)


_TC_BLK = 1024
_tc_kernel = pl.pallas_call(
    _tc_body,
    grid=(N_SYM // _TC_BLK,),
    in_specs=[
        pl.BlockSpec((_TC_BLK, D), lambda i: (i, 0)),
        pl.BlockSpec((_TC_BLK, D), lambda i: (i, 0)),
        pl.BlockSpec((_TC_BLK, D), lambda i: (i, 0)),
        pl.BlockSpec((D, 2 * D), lambda i: (0, 0)),
    ],
    out_specs=pl.BlockSpec((_TC_BLK, D), lambda i: (i, 0)),
    out_shape=jax.ShapeDtypeStruct((N_SYM, D), jnp.float32),
)


def kernel(encoded_identifiers, full_expr_encoded, W,
           symbols_identifier_indices, expr_idx, token_idx, symbol_idx):
    flat_expr = full_expr_encoded.reshape(N_TAB, D)
    occ = (MAX_TOK * expr_idx + token_idx).astype(jnp.int32)
    pad = N_PAD - N_APP
    occ = jnp.concatenate([occ, jnp.zeros((pad,), jnp.int32)])
    sym = jnp.concatenate([symbol_idx.astype(jnp.int32),
                           jnp.full((pad,), N_SYM, jnp.int32)])
    idx = jnp.stack([occ.reshape(NW, STEPS, CHUNK),
                     sym.reshape(NW, STEPS, CHUNK)], axis=2)
    ident_idx = symbols_identifier_indices.astype(jnp.int32).reshape(
        NW, IDENT_STEPS, CHUNK)
    zrows = jnp.zeros((ZROWS, D), jnp.float32)

    a, parts = _sc_kernel(flat_expr, encoded_identifiers, idx,
                          ident_idx, zrows)
    out = _tc_kernel(a, parts[0], parts[1], W)
    return out.reshape(N_SYM // 512, 512, D)

# --- scband reference (transcript-rebuilt; emitter-appended) ---
"""Pipeline reference for scband-symbols-encoder-83425444757722 (READ-ONLY COPY).

The authoritative reference and input builder live on the scoring server;
editing this copy changes nothing except your own understanding.
"""

import jax, jax.numpy as jnp
import numpy as np

N_IDENT = 10000
D_SYM = 128
D_EXPR = 128
N_SYM = 8192
B = 16
MAX_SYM = 512
N_EXPR = 2048
MAX_TOK = 64
N_APP = 320000


def setup_inputs(seed: int = 0) -> dict:
    key = jax.random.key(seed)
    k1, k2, k3, k4, k5, k6, k7 = jax.random.split(key, 7)
    encoded_identifiers = jax.random.normal(k1, (N_IDENT, D_SYM), dtype=jnp.float32)
    full_expr_encoded = jax.random.normal(k2, (N_EXPR, MAX_TOK, D_EXPR), dtype=jnp.float32)
    # combiner Linear weight: [out_features=D_SYM, in_features=D_EXPR + D_SYM], no bias
    W = jax.random.normal(k3, (D_SYM, D_EXPR + D_SYM), dtype=jnp.float32) * 0.02
    symbols_identifier_indices = jax.random.randint(k4, (N_SYM,), 0, N_IDENT)
    expr_idx = jax.random.randint(k5, (N_APP,), 0, N_EXPR)
    token_idx = jax.random.randint(k6, (N_APP,), 0, MAX_TOK)
    symbol_idx = jnp.sort(jax.random.randint(k7, (N_APP,), 0, N_SYM))
    return {
        "encoded_identifiers": encoded_identifiers,
        "full_expr_encoded": full_expr_encoded,
        "W": W,
        "symbols_identifier_indices": symbols_identifier_indices,
        "expr_idx": expr_idx,
        "token_idx": token_idx,
        "symbol_idx": symbol_idx,
    }


def reference(encoded_identifiers, full_expr_encoded, W,
              symbols_identifier_indices, expr_idx, token_idx, symbol_idx):
    # gather per-symbol identifier encodings
    encoded_symbols_wo_commons = jnp.take(encoded_identifiers, symbols_identifier_indices, axis=0)
    # gather expression-token encodings at each symbol occurrence
    max_nr_tokens_per_expression = full_expr_encoded.shape[1]
    flat_expr = full_expr_encoded.reshape(-1, full_expr_encoded.shape[-1])
    occ_flat_idx = max_nr_tokens_per_expression * expr_idx + token_idx
    occ_encodings = jnp.take(flat_expr, occ_flat_idx, axis=0)
    # scatter-add occurrences into per-symbol sums
    sums = jnp.zeros((symbols_identifier_indices.shape[0], occ_encodings.shape[-1]),
                     dtype=occ_encodings.dtype).at[symbol_idx].add(occ_encodings)
    combined = jnp.concatenate([encoded_symbols_wo_commons, sums], axis=-1)
    combined = combined @ W.T  # Linear, bias=False
    combined = jax.nn.relu(combined)  # dropout_rate=0.0 (eval) -> identity
    # unflatten [N_SYM, D_SYM] -> [B, MAX_SYM, D_SYM]
    return combined.reshape(B, MAX_SYM, D_SYM)

if __name__ == "__main__":
    import jax
    _d = setup_inputs()
    print(jax.jit(kernel)(*tuple(_d.values())))

</pallas_src>

<mosaic_0001>
#map = affine_map<(d0, d1) -> (0, 0)>
#map1 = affine_map<(d0, d1) -> (0, 0, 0, 0)>
#map2 = affine_map<(d0, d1) -> (0, 0, 0)>
module attributes {stable_mosaic.version = 14 : i64} {
  func.func @_sc_body(%arg0: i32, %arg1: i32, %arg2: memref<131072x128xf32, #tpu.memory_space<hbm>>, %arg3: memref<10000x128xf32, #tpu.memory_space<hbm>>, %arg4: memref<32x79x2x128xi32, #tpu.memory_space<hbm>>, %arg5: memref<32x2x128xi32, #tpu.memory_space<hbm>>, %arg6: memref<520x128xf32, #tpu.memory_space<hbm>>, %arg7: memref<8192x128xf32, #tpu.memory_space<hbm>>, %arg8: memref<2x8192x128xf32, #tpu.memory_space<hbm>>, %arg9: memref<8x2x128xi32, #tpu.memory_space<vmem>>, %arg10: memref<2x128xi32, #tpu.memory_space<vmem>>, %arg11: memref<384x128xf32, #tpu.memory_space<vmem>>, %arg12: memref<8320x128xf32, #tpu.memory_space<vmem_shared>>, %arg13: memref<!tpu.dma_semaphore, #tpu.memory_space<semaphore_mem>>, %arg14: memref<!tpu.dma_semaphore, #tpu.memory_space<semaphore_mem>>, %arg15: memref<!tpu.dma_semaphore, #tpu.memory_space<semaphore_mem>>) attributes {dimension_semantics = [#tpu.dimension_semantics<core_parallel>, #tpu.dimension_semantics<subcore_parallel>], iteration_bounds = array<i64: 2, 16>, scalar_prefetch = 0 : i64, scratch_operands = 7 : i64, tpu.core_type = #tpu.core_type<sc_vector_subcore>, window_params = [{transform_indices = #map}, {transform_indices = #map}, {transform_indices = #map1}, {transform_indices = #map2}, {transform_indices = #map}, {transform_indices = #map}, {transform_indices = #map2}]} {
    %mul3A = arith.constant 16 : i32
    %mul3A_0 = arith.muli %arg0, %mul3A : i32
    %add3A = arith.addi %mul3A_0, %arg1 : i32
    %mul3A_1 = arith.constant 520 : i32
    %mul3A_2 = arith.muli %arg1, %mul3A_1 : i32
    "tpu.region"() ({
      %run_scoped3A = tpu.sem_alloc : memref<!tpu.dma_semaphore, #tpu.memory_space<semaphore_mem>>
      %dma_start3A_285 = arith.constant 0 : i32
      %dma_start3A_286 = tpu.memref_slice %arg12[%mul3A_2, %dma_start3A_285] : memref<8320x128xf32, #tpu.memory_space<vmem_shared>> -> memref<520x128xf32, #tpu.memory_space<vmem_shared>>
      tpu.enqueue_dma source(%arg6 : memref<520x128xf32, #tpu.memory_space<hbm>>) target(%dma_start3A_286 : memref<520x128xf32, #tpu.memory_space<vmem_shared>>) target_semaphore(%run_scoped3A : memref<!tpu.dma_semaphore, #tpu.memory_space<semaphore_mem>>)
      %dma_wait3A_287 = arith.constant 0 : i32
      %dma_wait3A_288 = tpu.memref_slice %arg12[%mul3A_2, %dma_wait3A_287] : memref<8320x128xf32, #tpu.memory_space<vmem_shared>> -> memref<520x128xf32, #tpu.memory_space<vmem_shared>>
      tpu.wait_dma2 semaphore(%run_scoped3A : memref<!tpu.dma_semaphore, #tpu.memory_space<semaphore_mem>>) src(%arg6 : memref<520x128xf32, #tpu.memory_space<hbm>>) dst(%dma_wait3A_288 : memref<520x128xf32, #tpu.memory_space<vmem_shared>>)
      tpu.yield
    }) : () -> ()
    "tpu.region"() ({
      %run_scoped3A = tpu.sem_alloc : memref<!tpu.dma_semaphore, #tpu.memory_space<semaphore_mem>>
      %dma_start3A_285 = arith.constant 0 : i32
      %dma_start3A_286 = arith.constant 0 : i32
      %dma_start3A_287 = tpu.memref_slice %arg5[%add3A, %dma_start3A_285, %dma_start3A_286] : memref<32x2x128xi32, #tpu.memory_space<hbm>> -> memref<1x2x128xi32, #tpu.memory_space<hbm>>
      %dma_start3A_288 = tpu.memref_squeeze %dma_start3A_287 : memref<1x2x128xi32, #tpu.memory_space<hbm>> -> memref<2x128xi32, #tpu.memory_space<hbm>>
      %dma_start3A_289 = arith.constant 0 : i32
      %dma_start3A_290 = arith.constant 0 : i32
      %dma_start3A_291 = tpu.memref_slice %arg5[%add3A, %dma_start3A_289, %dma_start3A_290] : memref<32x2x128xi32, #tpu.memory_space<hbm>> -> memref<1x2x128xi32, #tpu.memory_space<hbm>>
      %dma_start3A_292 = tpu.memref_squeeze %dma_start3A_291 : memref<1x2x128xi32, #tpu.memory_space<hbm>> -> memref<2x128xi32, #tpu.memory_space<hbm>>
      tpu.enqueue_dma source(%dma_start3A_292 : memref<2x128xi32, #tpu.memory_space<hbm>>) target(%arg10 : memref<2x128xi32, #tpu.memory_space<vmem>>) target_semaphore(%run_scoped3A : memref<!tpu.dma_semaphore, #tpu.memory_space<semaphore_mem>>)
      %dma_wait3A_293 = arith.constant 0 : i32
      %dma_wait3A_294 = arith.constant 0 : i32
      %dma_wait3A_295 = tpu.memref_slice %arg5[%add3A, %dma_wait3A_293, %dma_wait3A_294] : memref<32x2x128xi32, #tpu.memory_space<hbm>> -> memref<1x2x128xi32, #tpu.memory_space<hbm>>
      %dma_wait3A_296 = tpu.memref_squeeze %dma_wait3A_295 : memref<1x2x128xi32, #tpu.memory_space<hbm>> -> memref<2x128xi32, #tpu.memory_space<hbm>>
      %dma_wait3A_297 = arith.constant 0 : i32
      %dma_wait3A_298 = arith.constant 0 : i32
      %dma_wait3A_299 = tpu.memref_slice %arg5[%add3A, %dma_wait3A_297, %dma_wait3A_298] : memref<32x2x128xi32, #tpu.memory_space<hbm>> -> memref<1x2x128xi32, #tpu.memory_space<hbm>>
      %dma_wait3A_300 = tpu.memref_squeeze %dma_wait3A_299 : memref<1x2x128xi32, #tpu.memory_space<hbm>> -> memref<2x128xi32, #tpu.memory_space<hbm>>
      tpu.wait_dma2 semaphore(%run_scoped3A : memref<!tpu.dma_semaphore, #tpu.memory_space<semaphore_mem>>) src(%dma_wait3A_300 : memref<2x128xi32, #tpu.memory_space<hbm>>) dst(%arg10 : memref<2x128xi32, #tpu.memory_space<vmem>>)
      tpu.yield
    }) : () -> ()
    %dma_start3A = arith.constant 0 : i32
    %dma_start3A_3 = arith.constant 0 : i32
    %dma_start3A_4 = arith.constant 0 : i32
    %dma_start3A_5 = tpu.memref_slice %arg11[%dma_start3A_3, %dma_start3A_4] : memref<384x128xf32, #tpu.memory_space<vmem>> -> memref<128x128xf32, #tpu.memory_space<vmem>>
    %dma_start3A_6 = arith.constant 0 : i32
    %dma_start3A_7 = tpu.memref_slice %arg10[%dma_start3A, %dma_start3A_6] : memref<2x128xi32, #tpu.memory_space<vmem>> -> memref<1x128xi32, #tpu.memory_space<vmem>>
    %dma_start3A_8 = tpu.memref_squeeze %dma_start3A_7 : memref<1x128xi32, #tpu.memory_space<vmem>> -> memref<128xi32, #tpu.memory_space<vmem>>
    %dma_start3A_9 = arith.constant 0 : i32
    %dma_start3A_10 = arith.constant 0 : i32
    %dma_start3A_11 = tpu.memref_slice %arg3[%dma_start3A_9, %dma_start3A_10] : memref<10000x128xf32, #tpu.memory_space<hbm>> -> memref<10000x128xf32, #tpu.memory_space<hbm>>
    tpu.enqueue_indirect_dma source(%dma_start3A_11 : memref<10000x128xf32, #tpu.memory_space<hbm>>) target(%dma_start3A_5 : memref<128x128xf32, #tpu.memory_space<vmem>>) offsets(%dma_start3A_8 : memref<128xi32, #tpu.memory_space<vmem>>) semaphore(%arg13 : memref<!tpu.dma_semaphore, #tpu.memory_space<semaphore_mem>>)
    %dma_wait3A = arith.constant 0 : i32
    %dma_wait3A_12 = arith.constant 0 : i32
    %dma_wait3A_13 = arith.constant 0 : i32
    %dma_wait3A_14 = tpu.memref_slice %arg11[%dma_wait3A_12, %dma_wait3A_13] : memref<384x128xf32, #tpu.memory_space<vmem>> -> memref<128x128xf32, #tpu.memory_space<vmem>>
    %dma_wait3A_15 = arith.constant 0 : i32
    %dma_wait3A_16 = tpu.memref_slice %arg10[%dma_wait3A, %dma_wait3A_15] : memref<2x128xi32, #tpu.memory_space<vmem>> -> memref<1x128xi32, #tpu.memory_space<vmem>>
    %dma_wait3A_17 = tpu.memref_squeeze %dma_wait3A_16 : memref<1x128xi32, #tpu.memory_space<vmem>> -> memref<128xi32, #tpu.memory_space<vmem>>
    %dma_wait3A_18 = arith.constant 0 : i32
    %dma_wait3A_19 = arith.constant 0 : i32
    %dma_wait3A_20 = tpu.memref_slice %arg3[%dma_wait3A_18, %dma_wait3A_19] : memref<10000x128xf32, #tpu.memory_space<hbm>> -> memref<10000x128xf32, #tpu.memory_space<hbm>>
    tpu.wait_indirect_dma semaphore(%arg13 : memref<!tpu.dma_semaphore, #tpu.memory_space<semaphore_mem>>) src(%dma_wait3A_20 : memref<10000x128xf32, #tpu.memory_space<hbm>>) dst(%dma_wait3A_14 : memref<128x128xf32, #tpu.memory_space<vmem>>)
    %mul3A_21 = arith.constant 128 : i32
    %mul3A_22 = arith.muli %add3A, %mul3A_21 : i32
    %mul3A_23 = arith.constant 2 : i32
    %mul3A_24 = arith.muli %mul3A_22, %mul3A_23 : i32
    %add3A_25 = arith.constant 0 : i32
    %add3A_26 = arith.addi %mul3A_24, %add3A_25 : i32
    "tpu.region"() ({
      %run_scoped3A = tpu.sem_alloc : memref<!tpu.dma_semaphore, #tpu.memory_space<semaphore_mem>>
      %dma_start3A_285 = arith.constant 0 : i32
      %dma_start3A_286 = arith.constant 0 : i32
      %dma_start3A_287 = tpu.memref_slice %arg11[%dma_start3A_285, %dma_start3A_286] : memref<384x128xf32, #tpu.memory_space<vmem>> -> memref<128x128xf32, #tpu.memory_space<vmem>>
      %dma_start3A_288 = arith.constant 0 : i32
      %dma_start3A_289 = tpu.memref_slice %arg7[%add3A_26, %dma_start3A_288] : memref<8192x128xf32, #tpu.memory_space<hbm>> -> memref<128x128xf32, #tpu.memory_space<hbm>>
      %dma_start3A_290 = arith.constant 0 : i32
      %dma_start3A_291 = tpu.memref_slice %arg7[%add3A_26, %dma_start3A_290] : memref<8192x128xf32, #tpu.memory_space<hbm>> -> memref<128x128xf32, #tpu.memory_space<hbm>>
      %dma_start3A_292 = arith.constant 0 : i32
      %dma_start3A_293 = arith.constant 0 : i32
      %dma_start3A_294 = tpu.memref_slice %arg11[%dma_start3A_292, %dma_start3A_293] : memref<384x128xf32, #tpu.memory_space<vmem>> -> memref<128x128xf32, #tpu.memory_space<vmem>>
      tpu.enqueue_dma source(%dma_start3A_294 : memref<128x128xf32, #tpu.memory_space<vmem>>) target(%dma_start3A_291 : memref<128x128xf32, #tpu.memory_space<hbm>>) target_semaphore(%run_scoped3A : memref<!tpu.dma_semaphore, #tpu.memory_space<semaphore_mem>>)
      %dma_wait3A_295 = arith.constant 0 : i32
      %dma_wait3A_296 = arith.constant 0 : i32
      %dma_wait3A_297 = tpu.memref_slice %arg11[%dma_wait3A_295, %dma_wait3A_296] : memref<384x128xf32, #tpu.memory_space<vmem>> -> memref<128x128xf32, #tpu.memory_space<vmem>>
      %dma_wait3A_298 = arith.constant 0 : i32
      %dma_wait3A_299 = tpu.memref_slice %arg7[%add3A_26, %dma_wait3A_298] : memref<8192x128xf32, #tpu.memory_space<hbm>> -> memref<128x128xf32, #tpu.memory_space<hbm>>
      %dma_wait3A_300 = arith.constant 0 : i32
      %dma_wait3A_301 = tpu.memref_slice %arg7[%add3A_26, %dma_wait3A_300] : memref<8192x128xf32, #tpu.memory_space<hbm>> -> memref<128x128xf32, #tpu.memory_space<hbm>>
      %dma_wait3A_302 = arith.constant 0 : i32
      %dma_wait3A_303 = arith.constant 0 : i32
      %dma_wait3A_304 = tpu.memref_slice %arg11[%dma_wait3A_302, %dma_wait3A_303] : memref<384x128xf32, #tpu.memory_space<vmem>> -> memref<128x128xf32, #tpu.memory_space<vmem>>
      tpu.wait_dma2 semaphore(%run_scoped3A : memref<!tpu.dma_semaphore, #tpu.memory_space<semaphore_mem>>) src(%dma_wait3A_304 : memref<128x128xf32, #tpu.memory_space<vmem>>) dst(%dma_wait3A_301 : memref<128x128xf32, #tpu.memory_space<hbm>>)
      tpu.yield
    }) : () -> ()
    %dma_start3A_27 = arith.constant 1 : i32
    %dma_start3A_28 = arith.constant 0 : i32
    %dma_start3A_29 = arith.constant 0 : i32
    %dma_start3A_30 = tpu.memref_slice %arg11[%dma_start3A_28, %dma_start3A_29] : memref<384x128xf32, #tpu.memory_space<vmem>> -> memref<128x128xf32, #tpu.memory_space<vmem>>
    %dma_start3A_31 = arith.constant 0 : i32
    %dma_start3A_32 = tpu.memref_slice %arg10[%dma_start3A_27, %dma_start3A_31] : memref<2x128xi32, #tpu.memory_space<vmem>> -> memref<1x128xi32, #tpu.memory_space<vmem>>
    %dma_start3A_33 = tpu.memref_squeeze %dma_start3A_32 : memref<1x128xi32, #tpu.memory_space<vmem>> -> memref<128xi32, #tpu.memory_space<vmem>>
    %dma_start3A_34 = arith.constant 0 : i32
    %dma_start3A_35 = arith.constant 0 : i32
    %dma_start3A_36 = tpu.memref_slice %arg3[%dma_start3A_34, %dma_start3A_35] : memref<10000x128xf32, #tpu.memory_space<hbm>> -> memref<10000x128xf32, #tpu.memory_space<hbm>>
    tpu.enqueue_indirect_dma source(%dma_start3A_36 : memref<10000x128xf32, #tpu.memory_space<hbm>>) target(%dma_start3A_30 : memref<128x128xf32, #tpu.memory_space<vmem>>) offsets(%dma_start3A_33 : memref<128xi32, #tpu.memory_space<vmem>>) semaphore(%arg13 : memref<!tpu.dma_semaphore, #tpu.memory_space<semaphore_mem>>)
    %dma_wait3A_37 = arith.constant 1 : i32
    %dma_wait3A_38 = arith.constant 0 : i32
    %dma_wait3A_39 = arith.constant 0 : i32
    %dma_wait3A_40 = tpu.memref_slice %arg11[%dma_wait3A_38, %dma_wait3A_39] : memref<384x128xf32, #tpu.memory_space<vmem>> -> memref<128x128xf32, #tpu.memory_space<vmem>>
    %dma_wait3A_41 = arith.constant 0 : i32
    %dma_wait3A_42 = tpu.memref_slice %arg10[%dma_wait3A_37, %dma_wait3A_41] : memref<2x128xi32, #tpu.memory_space<vmem>> -> memref<1x128xi32, #tpu.memory_space<vmem>>
    %dma_wait3A_43 = tpu.memref_squeeze %dma_wait3A_42 : memref<1x128xi32, #tpu.memory_space<vmem>> -> memref<128xi32, #tpu.memory_space<vmem>>
    %dma_wait3A_44 = arith.constant 0 : i32
    %dma_wait3A_45 = arith.constant 0 : i32
    %dma_wait3A_46 = tpu.memref_slice %arg3[%dma_wait3A_44, %dma_wait3A_45] : memref<10000x128xf32, #tpu.memory_space<hbm>> -> memref<10000x128xf32, #tpu.memory_space<hbm>>
    tpu.wait_indirect_dma semaphore(%arg13 : memref<!tpu.dma_semaphore, #tpu.memory_space<semaphore_mem>>) src(%dma_wait3A_46 : memref<10000x128xf32, #tpu.memory_space<hbm>>) dst(%dma_wait3A_40 : memref<128x128xf32, #tpu.memory_space<vmem>>)
    %mul3A_47 = arith.constant 128 : i32
    %mul3A_48 = arith.muli %add3A, %mul3A_47 : i32
    %mul3A_49 = arith.constant 2 : i32
    %mul3A_50 = arith.muli %mul3A_48, %mul3A_49 : i32
    %add3A_51 = arith.constant 128 : i32
    %add3A_52 = arith.addi %mul3A_50, %add3A_51 : i32
    "tpu.region"() ({
      %run_scoped3A = tpu.sem_alloc : memref<!tpu.dma_semaphore, #tpu.memory_space<semaphore_mem>>
      %dma_start3A_285 = arith.constant 0 : i32
      %dma_start3A_286 = arith.constant 0 : i32
      %dma_start3A_287 = tpu.memref_slice %arg11[%dma_start3A_285, %dma_start3A_286] : memref<384x128xf32, #tpu.memory_space<vmem>> -> memref<128x128xf32, #tpu.memory_space<vmem>>
      %dma_start3A_288 = arith.constant 0 : i32
      %dma_start3A_289 = tpu.memref_slice %arg7[%add3A_52, %dma_start3A_288] : memref<8192x128xf32, #tpu.memory_space<hbm>> -> memref<128x128xf32, #tpu.memory_space<hbm>>
      %dma_start3A_290 = arith.constant 0 : i32
      %dma_start3A_291 = tpu.memref_slice %arg7[%add3A_52, %dma_start3A_290] : memref<8192x128xf32, #tpu.memory_space<hbm>> -> memref<128x128xf32, #tpu.memory_space<hbm>>
      %dma_start3A_292 = arith.constant 0 : i32
      %dma_start3A_293 = arith.constant 0 : i32
      %dma_start3A_294 = tpu.memref_slice %arg11[%dma_start3A_292, %dma_start3A_293] : memref<384x128xf32, #tpu.memory_space<vmem>> -> memref<128x128xf32, #tpu.memory_space<vmem>>
      tpu.enqueue_dma source(%dma_start3A_294 : memref<128x128xf32, #tpu.memory_space<vmem>>) target(%dma_start3A_291 : memref<128x128xf32, #tpu.memory_space<hbm>>) target_semaphore(%run_scoped3A : memref<!tpu.dma_semaphore, #tpu.memory_space<semaphore_mem>>)
      %dma_wait3A_295 = arith.constant 0 : i32
      %dma_wait3A_296 = arith.constant 0 : i32
      %dma_wait3A_297 = tpu.memref_slice %arg11[%dma_wait3A_295, %dma_wait3A_296] : memref<384x128xf32, #tpu.memory_space<vmem>> -> memref<128x128xf32, #tpu.memory_space<vmem>>
      %dma_wait3A_298 = arith.constant 0 : i32
      %dma_wait3A_299 = tpu.memref_slice %arg7[%add3A_52, %dma_wait3A_298] : memref<8192x128xf32, #tpu.memory_space<hbm>> -> memref<128x128xf32, #tpu.memory_space<hbm>>
      %dma_wait3A_300 = arith.constant 0 : i32
      %dma_wait3A_301 = tpu.memref_slice %arg7[%add3A_52, %dma_wait3A_300] : memref<8192x128xf32, #tpu.memory_space<hbm>> -> memref<128x128xf32, #tpu.memory_space<hbm>>
      %dma_wait3A_302 = arith.constant 0 : i32
      %dma_wait3A_303 = arith.constant 0 : i32
      %dma_wait3A_304 = tpu.memref_slice %arg11[%dma_wait3A_302, %dma_wait3A_303] : memref<384x128xf32, #tpu.memory_space<vmem>> -> memref<128x128xf32, #tpu.memory_space<vmem>>
      tpu.wait_dma2 semaphore(%run_scoped3A : memref<!tpu.dma_semaphore, #tpu.memory_space<semaphore_mem>>) src(%dma_wait3A_304 : memref<128x128xf32, #tpu.memory_space<vmem>>) dst(%dma_wait3A_301 : memref<128x128xf32, #tpu.memory_space<hbm>>)
      tpu.yield
    }) : () -> ()
    %barrier3A = arith.constant 0 : index
    tpu.barrier barrier_id(%barrier3A)
    %rem3A = arith.constant 0 : i32
    %rem3A_53 = arith.constant 8 : i32
    %rem3A_54 = arith.remsi %rem3A, %rem3A_53 : i32
    %dma_start3A_55 = arith.constant 0 : i32
    %dma_start3A_56 = arith.constant 0 : i32
    %dma_start3A_57 = arith.constant 0 : i32
    %dma_start3A_58 = tpu.memref_slice %arg9[%rem3A_54, %dma_start3A_56, %dma_start3A_57] : memref<8x2x128xi32, #tpu.memory_space<vmem>> -> memref<1x2x128xi32, #tpu.memory_space<vmem>>
    %dma_start3A_59 = tpu.memref_squeeze %dma_start3A_58 : memref<1x2x128xi32, #tpu.memory_space<vmem>> -> memref<2x128xi32, #tpu.memory_space<vmem>>
    %dma_start3A_60 = arith.constant 0 : i32
    %dma_start3A_61 = arith.constant 0 : i32
    %dma_start3A_62 = tpu.memref_slice %arg4[%add3A, %dma_start3A_55, %dma_start3A_60, %dma_start3A_61] : memref<32x79x2x128xi32, #tpu.memory_space<hbm>> -> memref<1x1x2x128xi32, #tpu.memory_space<hbm>>
    %dma_start3A_63 = tpu.memref_squeeze %dma_start3A_62 : memref<1x1x2x128xi32, #tpu.memory_space<hbm>> -> memref<2x128xi32, #tpu.memory_space<hbm>>
    %dma_start3A_64 = arith.constant 0 : i32
    %dma_start3A_65 = arith.constant 0 : i32
    %dma_start3A_66 = tpu.memref_slice %arg9[%rem3A_54, %dma_start3A_64, %dma_start3A_65] : memref<8x2x128xi32, #tpu.memory_space<vmem>> -> memref<1x2x128xi32, #tpu.memory_space<vmem>>
    %dma_start3A_67 = tpu.memref_squeeze %dma_start3A_66 : memref<1x2x128xi32, #tpu.memory_space<vmem>> -> memref<2x128xi32, #tpu.memory_space<vmem>>
    %dma_start3A_68 = arith.constant 0 : i32
    %dma_start3A_69 = arith.constant 0 : i32
    %dma_start3A_70 = tpu.memref_slice %arg4[%add3A, %dma_start3A_55, %dma_start3A_68, %dma_start3A_69] : memref<32x79x2x128xi32, #tpu.memory_space<hbm>> -> memref<1x1x2x128xi32, #tpu.memory_space<hbm>>
    %dma_start3A_71 = tpu.memref_squeeze %dma_start3A_70 : memref<1x1x2x128xi32, #tpu.memory_space<hbm>> -> memref<2x128xi32, #tpu.memory_space<hbm>>
    tpu.enqueue_dma source(%dma_start3A_71 : memref<2x128xi32, #tpu.memory_space<hbm>>) target(%dma_start3A_67 : memref<2x128xi32, #tpu.memory_space<vmem>>) target_semaphore(%arg14 : memref<!tpu.dma_semaphore, #tpu.memory_space<semaphore_mem>>)
    %rem3A_72 = arith.constant 1 : i32
    %rem3A_73 = arith.constant 8 : i32
    %rem3A_74 = arith.remsi %rem3A_72, %rem3A_73 : i32
    %dma_start3A_75 = arith.constant 1 : i32
    %dma_start3A_76 = arith.constant 0 : i32
    %dma_start3A_77 = arith.constant 0 : i32
    %dma_start3A_78 = tpu.memref_slice %arg9[%rem3A_74, %dma_start3A_76, %dma_start3A_77] : memref<8x2x128xi32, #tpu.memory_space<vmem>> -> memref<1x2x128xi32, #tpu.memory_space<vmem>>
    %dma_start3A_79 = tpu.memref_squeeze %dma_start3A_78 : memref<1x2x128xi32, #tpu.memory_space<vmem>> -> memref<2x128xi32, #tpu.memory_space<vmem>>
    %dma_start3A_80 = arith.constant 0 : i32
    %dma_start3A_81 = arith.constant 0 : i32
    %dma_start3A_82 = tpu.memref_slice %arg4[%add3A, %dma_start3A_75, %dma_start3A_80, %dma_start3A_81] : memref<32x79x2x128xi32, #tpu.memory_space<hbm>> -> memref<1x1x2x128xi32, #tpu.memory_space<hbm>>
    %dma_start3A_83 = tpu.memref_squeeze %dma_start3A_82 : memref<1x1x2x128xi32, #tpu.memory_space<hbm>> -> memref<2x128xi32, #tpu.memory_space<hbm>>
    %dma_start3A_84 = arith.constant 0 : i32
    %dma_start3A_85 = arith.constant 0 : i32
    %dma_start3A_86 = tpu.memref_slice %arg9[%rem3A_74, %dma_start3A_84, %dma_start3A_85] : memref<8x2x128xi32, #tpu.memory_space<vmem>> -> memref<1x2x128xi32, #tpu.memory_space<vmem>>
    %dma_start3A_87 = tpu.memref_squeeze %dma_start3A_86 : memref<1x2x128xi32, #tpu.memory_space<vmem>> -> memref<2x128xi32, #tpu.memory_space<vmem>>
    %dma_start3A_88 = arith.constant 0 : i32
    %dma_start3A_89 = arith.constant 0 : i32
    %dma_start3A_90 = tpu.memref_slice %arg4[%add3A, %dma_start3A_75, %dma_start3A_88, %dma_start3A_89] : memref<32x79x2x128xi32, #tpu.memory_space<hbm>> -> memref<1x1x2x128xi32, #tpu.memory_space<hbm>>
    %dma_start3A_91 = tpu.memref_squeeze %dma_start3A_90 : memref<1x1x2x128xi32, #tpu.memory_space<hbm>> -> memref<2x128xi32, #tpu.memory_space<hbm>>
    tpu.enqueue_dma source(%dma_start3A_91 : memref<2x128xi32, #tpu.memory_space<hbm>>) target(%dma_start3A_87 : memref<2x128xi32, #tpu.memory_space<vmem>>) target_semaphore(%arg14 : memref<!tpu.dma_semaphore, #tpu.memory_space<semaphore_mem>>)
    %rem3A_92 = arith.constant 2 : i32
    %rem3A_93 = arith.constant 8 : i32
    %rem3A_94 = arith.remsi %rem3A_92, %rem3A_93 : i32
    %dma_start3A_95 = arith.constant 2 : i32
    %dma_start3A_96 = arith.constant 0 : i32
    %dma_start3A_97 = arith.constant 0 : i32
    %dma_start3A_98 = tpu.memref_slice %arg9[%rem3A_94, %dma_start3A_96, %dma_start3A_97] : memref<8x2x128xi32, #tpu.memory_space<vmem>> -> memref<1x2x128xi32, #tpu.memory_space<vmem>>
    %dma_start3A_99 = tpu.memref_squeeze %dma_start3A_98 : memref<1x2x128xi32, #tpu.memory_space<vmem>> -> memref<2x128xi32, #tpu.memory_space<vmem>>
    %dma_start3A_100 = arith.constant 0 : i32
    %dma_start3A_101 = arith.constant 0 : i32
    %dma_start3A_102 = tpu.memref_slice %arg4[%add3A, %dma_start3A_95, %dma_start3A_100, %dma_start3A_101] : memref<32x79x2x128xi32, #tpu.memory_space<hbm>> -> memref<1x1x2x128xi32, #tpu.memory_space<hbm>>
    %dma_start3A_103 = tpu.memref_squeeze %dma_start3A_102 : memref<1x1x2x128xi32, #tpu.memory_space<hbm>> -> memref<2x128xi32, #tpu.memory_space<hbm>>
    %dma_start3A_104 = arith.constant 0 : i32
    %dma_start3A_105 = arith.constant 0 : i32
    %dma_start3A_106 = tpu.memref_slice %arg9[%rem3A_94, %dma_start3A_104, %dma_start3A_105] : memref<8x2x128xi32, #tpu.memory_space<vmem>> -> memref<1x2x128xi32, #tpu.memory_space<vmem>>
    %dma_start3A_107 = tpu.memref_squeeze %dma_start3A_106 : memref<1x2x128xi32, #tpu.memory_space<vmem>> -> memref<2x128xi32, #tpu.memory_space<vmem>>
    %dma_start3A_108 = arith.constant 0 : i32
    %dma_start3A_109 = arith.constant 0 : i32
    %dma_start3A_110 = tpu.memref_slice %arg4[%add3A, %dma_start3A_95, %dma_start3A_108, %dma_start3A_109] : memref<32x79x2x128xi32, #tpu.memory_space<hbm>> -> memref<1x1x2x128xi32, #tpu.memory_space<hbm>>
    %dma_start3A_111 = tpu.memref_squeeze %dma_start3A_110 : memref<1x1x2x128xi32, #tpu.memory_space<hbm>> -> memref<2x128xi32, #tpu.memory_space<hbm>>
    tpu.enqueue_dma source(%dma_start3A_111 : memref<2x128xi32, #tpu.memory_space<hbm>>) target(%dma_start3A_107 : memref<2x128xi32, #tpu.memory_space<vmem>>) target_semaphore(%arg14 : memref<!tpu.dma_semaphore, #tpu.memory_space<semaphore_mem>>)
    %rem3A_112 = arith.constant 3 : i32
    %rem3A_113 = arith.constant 8 : i32
    %rem3A_114 = arith.remsi %rem3A_112, %rem3A_113 : i32
    %dma_start3A_115 = arith.constant 3 : i32
    %dma_start3A_116 = arith.constant 0 : i32
    %dma_start3A_117 = arith.constant 0 : i32
    %dma_start3A_118 = tpu.memref_slice %arg9[%rem3A_114, %dma_start3A_116, %dma_start3A_117] : memref<8x2x128xi32, #tpu.memory_space<vmem>> -> memref<1x2x128xi32, #tpu.memory_space<vmem>>
    %dma_start3A_119 = tpu.memref_squeeze %dma_start3A_118 : memref<1x2x128xi32, #tpu.memory_space<vmem>> -> memref<2x128xi32, #tpu.memory_space<vmem>>
    %dma_start3A_120 = arith.constant 0 : i32
    %dma_start3A_121 = arith.constant 0 : i32
    %dma_start3A_122 = tpu.memref_slice %arg4[%add3A, %dma_start3A_115, %dma_start3A_120, %dma_start3A_121] : memref<32x79x2x128xi32, #tpu.memory_space<hbm>> -> memref<1x1x2x128xi32, #tpu.memory_space<hbm>>
    %dma_start3A_123 = tpu.memref_squeeze %dma_start3A_122 : memref<1x1x2x128xi32, #tpu.memory_space<hbm>> -> memref<2x128xi32, #tpu.memory_space<hbm>>
    %dma_start3A_124 = arith.constant 0 : i32
    %dma_start3A_125 = arith.constant 0 : i32
    %dma_start3A_126 = tpu.memref_slice %arg9[%rem3A_114, %dma_start3A_124, %dma_start3A_125] : memref<8x2x128xi32, #tpu.memory_space<vmem>> -> memref<1x2x128xi32, #tpu.memory_space<vmem>>
    %dma_start3A_127 = tpu.memref_squeeze %dma_start3A_126 : memref<1x2x128xi32, #tpu.memory_space<vmem>> -> memref<2x128xi32, #tpu.memory_space<vmem>>
    %dma_start3A_128 = arith.constant 0 : i32
    %dma_start3A_129 = arith.constant 0 : i32
    %dma_start3A_130 = tpu.memref_slice %arg4[%add3A, %dma_start3A_115, %dma_start3A_128, %dma_start3A_129] : memref<32x79x2x128xi32, #tpu.memory_space<hbm>> -> memref<1x1x2x128xi32, #tpu.memory_space<hbm>>
    %dma_start3A_131 = tpu.memref_squeeze %dma_start3A_130 : memref<1x1x2x128xi32, #tpu.memory_space<hbm>> -> memref<2x128xi32, #tpu.memory_space<hbm>>
    tpu.enqueue_dma source(%dma_start3A_131 : memref<2x128xi32, #tpu.memory_space<hbm>>) target(%dma_start3A_127 : memref<2x128xi32, #tpu.memory_space<vmem>>) target_semaphore(%arg14 : memref<!tpu.dma_semaphore, #tpu.memory_space<semaphore_mem>>)
    %rem3A_132 = arith.constant 4 : i32
    %rem3A_133 = arith.constant 8 : i32
    %rem3A_134 = arith.remsi %rem3A_132, %rem3A_133 : i32
    %dma_start3A_135 = arith.constant 4 : i32
    %dma_start3A_136 = arith.constant 0 : i32
    %dma_start3A_137 = arith.constant 0 : i32
    %dma_start3A_138 = tpu.memref_slice %arg9[%rem3A_134, %dma_start3A_136, %dma_start3A_137] : memref<8x2x128xi32, #tpu.memory_space<vmem>> -> memref<1x2x128xi32, #tpu.memory_space<vmem>>
    %dma_start3A_139 = tpu.memref_squeeze %dma_start3A_138 : memref<1x2x128xi32, #tpu.memory_space<vmem>> -> memref<2x128xi32, #tpu.memory_space<vmem>>
    %dma_start3A_140 = arith.constant 0 : i32
    %dma_start3A_141 = arith.constant 0 : i32
    %dma_start3A_142 = tpu.memref_slice %arg4[%add3A, %dma_start3A_135, %dma_start3A_140, %dma_start3A_141] : memref<32x79x2x128xi32, #tpu.memory_space<hbm>> -> memref<1x1x2x128xi32, #tpu.memory_space<hbm>>
    %dma_start3A_143 = tpu.memref_squeeze %dma_start3A_142 : memref<1x1x2x128xi32, #tpu.memory_space<hbm>> -> memref<2x128xi32, #tpu.memory_space<hbm>>
    %dma_start3A_144 = arith.constant 0 : i32
    %dma_start3A_145 = arith.constant 0 : i32
    %dma_start3A_146 = tpu.memref_slice %arg9[%rem3A_134, %dma_start3A_144, %dma_start3A_145] : memref<8x2x128xi32, #tpu.memory_space<vmem>> -> memref<1x2x128xi32, #tpu.memory_space<vmem>>
    %dma_start3A_147 = tpu.memref_squeeze %dma_start3A_146 : memref<1x2x128xi32, #tpu.memory_space<vmem>> -> memref<2x128xi32, #tpu.memory_space<vmem>>
    %dma_start3A_148 = arith.constant 0 : i32
    %dma_start3A_149 = arith.constant 0 : i32
    %dma_start3A_150 = tpu.memref_slice %arg4[%add3A, %dma_start3A_135, %dma_start3A_148, %dma_start3A_149] : memref<32x79x2x128xi32, #tpu.memory_space<hbm>> -> memref<1x1x2x128xi32, #tpu.memory_space<hbm>>
    %dma_start3A_151 = tpu.memref_squeeze %dma_start3A_150 : memref<1x1x2x128xi32, #tpu.memory_space<hbm>> -> memref<2x128xi32, #tpu.memory_space<hbm>>
    tpu.enqueue_dma source(%dma_start3A_151 : memref<2x128xi32, #tpu.memory_space<hbm>>) target(%dma_start3A_147 : memref<2x128xi32, #tpu.memory_space<vmem>>) target_semaphore(%arg14 : memref<!tpu.dma_semaphore, #tpu.memory_space<semaphore_mem>>)
    %rem3A_152 = arith.constant 5 : i32
    %rem3A_153 = arith.constant 8 : i32
    %rem3A_154 = arith.remsi %rem3A_152, %rem3A_153 : i32
    %dma_start3A_155 = arith.constant 5 : i32
    %dma_start3A_156 = arith.constant 0 : i32
    %dma_start3A_157 = arith.constant 0 : i32
    %dma_start3A_158 = tpu.memref_slice %arg9[%rem3A_154, %dma_start3A_156, %dma_start3A_157] : memref<8x2x128xi32, #tpu.memory_space<vmem>> -> memref<1x2x128xi32, #tpu.memory_space<vmem>>
    %dma_start3A_159 = tpu.memref_squeeze %dma_start3A_158 : memref<1x2x128xi32, #tpu.memory_space<vmem>> -> memref<2x128xi32, #tpu.memory_space<vmem>>
    %dma_start3A_160 = arith.constant 0 : i32
    %dma_start3A_161 = arith.constant 0 : i32
    %dma_start3A_162 = tpu.memref_slice %arg4[%add3A, %dma_start3A_155, %dma_start3A_160, %dma_start3A_161] : memref<32x79x2x128xi32, #tpu.memory_space<hbm>> -> memref<1x1x2x128xi32, #tpu.memory_space<hbm>>
    %dma_start3A_163 = tpu.memref_squeeze %dma_start3A_162 : memref<1x1x2x128xi32, #tpu.memory_space<hbm>> -> memref<2x128xi32, #tpu.memory_space<hbm>>
    %dma_start3A_164 = arith.constant 0 : i32
    %dma_start3A_165 = arith.constant 0 : i32
    %dma_start3A_166 = tpu.memref_slice %arg9[%rem3A_154, %dma_start3A_164, %dma_start3A_165] : memref<8x2x128xi32, #tpu.memory_space<vmem>> -> memref<1x2x128xi32, #tpu.memory_space<vmem>>
    %dma_start3A_167 = tpu.memref_squeeze %dma_start3A_166 : memref<1x2x128xi32, #tpu.memory_space<vmem>> -> memref<2x128xi32, #tpu.memory_space<vmem>>
    %dma_start3A_168 = arith.constant 0 : i32
    %dma_start3A_169 = arith.constant 0 : i32
    %dma_start3A_170 = tpu.memref_slice %arg4[%add3A, %dma_start3A_155, %dma_start3A_168, %dma_start3A_169] : memref<32x79x2x128xi32, #tpu.memory_space<hbm>> -> memref<1x1x2x128xi32, #tpu.memory_space<hbm>>
    %dma_start3A_171 = tpu.memref_squeeze %dma_start3A_170 : memref<1x1x2x128xi32, #tpu.memory_space<hbm>> -> memref<2x128xi32, #tpu.memory_space<hbm>>
    tpu.enqueue_dma source(%dma_start3A_171 : memref<2x128xi32, #tpu.memory_space<hbm>>) target(%dma_start3A_167 : memref<2x128xi32, #tpu.memory_space<vmem>>) target_semaphore(%arg14 : memref<!tpu.dma_semaphore, #tpu.memory_space<semaphore_mem>>)
    %rem3A_172 = arith.constant 6 : i32
    %rem3A_173 = arith.constant 8 : i32
    %rem3A_174 = arith.remsi %rem3A_172, %rem3A_173 : i32
    %dma_start3A_175 = arith.constant 6 : i32
    %dma_start3A_176 = arith.constant 0 : i32
    %dma_start3A_177 = arith.constant 0 : i32
    %dma_start3A_178 = tpu.memref_slice %arg9[%rem3A_174, %dma_start3A_176, %dma_start3A_177] : memref<8x2x128xi32, #tpu.memory_space<vmem>> -> memref<1x2x128xi32, #tpu.memory_space<vmem>>
    %dma_start3A_179 = tpu.memref_squeeze %dma_start3A_178 : memref<1x2x128xi32, #tpu.memory_space<vmem>> -> memref<2x128xi32, #tpu.memory_space<vmem>>
    %dma_start3A_180 = arith.constant 0 : i32
    %dma_start3A_181 = arith.constant 0 : i32
    %dma_start3A_182 = tpu.memref_slice %arg4[%add3A, %dma_start3A_175, %dma_start3A_180, %dma_start3A_181] : memref<32x79x2x128xi32, #tpu.memory_space<hbm>> -> memref<1x1x2x128xi32, #tpu.memory_space<hbm>>
    %dma_start3A_183 = tpu.memref_squeeze %dma_start3A_182 : memref<1x1x2x128xi32, #tpu.memory_space<hbm>> -> memref<2x128xi32, #tpu.memory_space<hbm>>
    %dma_start3A_184 = arith.constant 0 : i32
    %dma_start3A_185 = arith.constant 0 : i32
    %dma_start3A_186 = tpu.memref_slice %arg9[%rem3A_174, %dma_start3A_184, %dma_start3A_185] : memref<8x2x128xi32, #tpu.memory_space<vmem>> -> memref<1x2x128xi32, #tpu.memory_space<vmem>>
    %dma_start3A_187 = tpu.memref_squeeze %dma_start3A_186 : memref<1x2x128xi32, #tpu.memory_space<vmem>> -> memref<2x128xi32, #tpu.memory_space<vmem>>
    %dma_start3A_188 = arith.constant 0 : i32
    %dma_start3A_189 = arith.constant 0 : i32
    %dma_start3A_190 = tpu.memref_slice %arg4[%add3A, %dma_start3A_175, %dma_start3A_188, %dma_start3A_189] : memref<32x79x2x128xi32, #tpu.memory_space<hbm>> -> memref<1x1x2x128xi32, #tpu.memory_space<hbm>>
    %dma_start3A_191 = tpu.memref_squeeze %dma_start3A_190 : memref<1x1x2x128xi32, #tpu.memory_space<hbm>> -> memref<2x128xi32, #tpu.memory_space<hbm>>
    tpu.enqueue_dma source(%dma_start3A_191 : memref<2x128xi32, #tpu.memory_space<hbm>>) target(%dma_start3A_187 : memref<2x128xi32, #tpu.memory_space<vmem>>) target_semaphore(%arg14 : memref<!tpu.dma_semaphore, #tpu.memory_space<semaphore_mem>>)
    %rem3A_192 = arith.constant 0 : i32
    %rem3A_193 = arith.constant 8 : i32
    %rem3A_194 = arith.remsi %rem3A_192, %rem3A_193 : i32
    %dma_wait3A_195 = arith.constant 0 : i32
    %dma_wait3A_196 = arith.constant 0 : i32
    %dma_wait3A_197 = arith.constant 0 : i32
    %dma_wait3A_198 = tpu.memref_slice %arg9[%rem3A_194, %dma_wait3A_196, %dma_wait3A_197] : memref<8x2x128xi32, #tpu.memory_space<vmem>> -> memref<1x2x128xi32, #tpu.memory_space<vmem>>
    %dma_wait3A_199 = tpu.memref_squeeze %dma_wait3A_198 : memref<1x2x128xi32, #tpu.memory_space<vmem>> -> memref<2x128xi32, #tpu.memory_space<vmem>>
    %dma_wait3A_200 = arith.constant 0 : i32
    %dma_wait3A_201 = arith.constant 0 : i32
    %dma_wait3A_202 = tpu.memref_slice %arg4[%add3A, %dma_wait3A_195, %dma_wait3A_200, %dma_wait3A_201] : memref<32x79x2x128xi32, #tpu.memory_space<hbm>> -> memref<1x1x2x128xi32, #tpu.memory_space<hbm>>
    %dma_wait3A_203 = tpu.memref_squeeze %dma_wait3A_202 : memref<1x1x2x128xi32, #tpu.memory_space<hbm>> -> memref<2x128xi32, #tpu.memory_space<hbm>>
    %dma_wait3A_204 = arith.constant 0 : i32
    %dma_wait3A_205 = arith.constant 0 : i32
    %dma_wait3A_206 = tpu.memref_slice %arg9[%rem3A_194, %dma_wait3A_204, %dma_wait3A_205] : memref<8x2x128xi32, #tpu.memory_space<vmem>> -> memref<1x2x128xi32, #tpu.memory_space<vmem>>
    %dma_wait3A_207 = tpu.memref_squeeze %dma_wait3A_206 : memref<1x2x128xi32, #tpu.memory_space<vmem>> -> memref<2x128xi32, #tpu.memory_space<vmem>>
    %dma_wait3A_208 = arith.constant 0 : i32
    %dma_wait3A_209 = arith.constant 0 : i32
    %dma_wait3A_210 = tpu.memref_slice %arg4[%add3A, %dma_wait3A_195, %dma_wait3A_208, %dma_wait3A_209] : memref<32x79x2x128xi32, #tpu.memory_space<hbm>> -> memref<1x1x2x128xi32, #tpu.memory_space<hbm>>
    %dma_wait3A_211 = tpu.memref_squeeze %dma_wait3A_210 : memref<1x1x2x128xi32, #tpu.memory_space<hbm>> -> memref<2x128xi32, #tpu.memory_space<hbm>>
    tpu.wait_dma2 semaphore(%arg14 : memref<!tpu.dma_semaphore, #tpu.memory_space<semaphore_mem>>) src(%dma_wait3A_211 : memref<2x128xi32, #tpu.memory_space<hbm>>) dst(%dma_wait3A_207 : memref<2x128xi32, #tpu.memory_space<vmem>>)
    %rem3A_212 = arith.constant 0 : i32
    %rem3A_213 = arith.constant 8 : i32
    %rem3A_214 = arith.remsi %rem3A_212, %rem3A_213 : i32
    %rem3A_215 = arith.constant 0 : i32
    %rem3A_216 = arith.constant 3 : i32
    %rem3A_217 = arith.remsi %rem3A_215, %rem3A_216 : i32
    %mul3A_218 = arith.constant 128 : i32
    %mul3A_219 = arith.muli %rem3A_217, %mul3A_218 : i32
    %dma_start3A_220 = arith.constant 0 : i32
    %dma_start3A_221 = arith.constant 0 : i32
    %dma_start3A_222 = tpu.memref_slice %arg11[%mul3A_219, %dma_start3A_221] : memref<384x128xf32, #tpu.memory_space<vmem>> -> memref<128x128xf32, #tpu.memory_space<vmem>>
    %dma_start3A_223 = arith.constant 0 : i32
    %dma_start3A_224 = arith.constant 0 : i32
    %dma_start3A_225 = tpu.memref_slice %arg9[%rem3A_214, %dma_start3A_223, %dma_start3A_224] : memref<8x2x128xi32, #tpu.memory_space<vmem>> -> memref<1x2x128xi32, #tpu.memory_space<vmem>>
    %dma_start3A_226 = tpu.memref_squeeze %dma_start3A_225 : memref<1x2x128xi32, #tpu.memory_space<vmem>> -> memref<2x128xi32, #tpu.memory_space<vmem>>
    %dma_start3A_227 = arith.constant 0 : i32
    %dma_start3A_228 = tpu.memref_slice %dma_start3A_226[%dma_start3A_220, %dma_start3A_227] : memref<2x128xi32, #tpu.memory_space<vmem>> -> memref<1x128xi32, #tpu.memory_space<vmem>>
    %dma_start3A_229 = tpu.memref_squeeze %dma_start3A_228 : memref<1x128xi32, #tpu.memory_space<vmem>> -> memref<128xi32, #tpu.memory_space<vmem>>
    %dma_start3A_230 = arith.constant 0 : i32
    %dma_start3A_231 = arith.constant 0 : i32
    %dma_start3A_232 = tpu.memref_slice %arg2[%dma_start3A_230, %dma_start3A_231] : memref<131072x128xf32, #tpu.memory_space<hbm>> -> memref<131072x128xf32, #tpu.memory_space<hbm>>
    tpu.enqueue_indirect_dma source(%dma_start3A_232 : memref<131072x128xf32, #tpu.memory_space<hbm>>) target(%dma_start3A_222 : memref<128x128xf32, #tpu.memory_space<vmem>>) offsets(%dma_start3A_229 : memref<128xi32, #tpu.memory_space<vmem>>) semaphore(%arg15 : memref<!tpu.dma_semaphore, #tpu.memory_space<semaphore_mem>>)
    %rem3A_233 = arith.constant 1 : i32
    %rem3A_234 = arith.constant 8 : i32
    %rem3A_235 = arith.remsi %rem3A_233, %rem3A_234 : i32
    %dma_wait3A_236 = arith.constant 1 : i32
    %dma_wait3A_237 = arith.constant 0 : i32
    %dma_wait3A_238 = arith.constant 0 : i32
    %dma_wait3A_239 = tpu.memref_slice %arg9[%rem3A_235, %dma_wait3A_237, %dma_wait3A_238] : memref<8x2x128xi32, #tpu.memory_space<vmem>> -> memref<1x2x128xi32, #tpu.memory_space<vmem>>
    %dma_wait3A_240 = tpu.memref_squeeze %dma_wait3A_239 : memref<1x2x128xi32, #tpu.memory_space<vmem>> -> memref<2x128xi32, #tpu.memory_space<vmem>>
    %dma_wait3A_241 = arith.constant 0 : i32
    %dma_wait3A_242 = arith.constant 0 : i32
    %dma_wait3A_243 = tpu.memref_slice %arg4[%add3A, %dma_wait3A_236, %dma_wait3A_241, %dma_wait3A_242] : memref<32x79x2x128xi32, #tpu.memory_space<hbm>> -> memref<1x1x2x128xi32, #tpu.memory_space<hbm>>
    %dma_wait3A_244 = tpu.memref_squeeze %dma_wait3A_243 : memref<1x1x2x128xi32, #tpu.memory_space<hbm>> -> memref<2x128xi32, #tpu.memory_space<hbm>>
    %dma_wait3A_245 = arith.constant 0 : i32
    %dma_wait3A_246 = arith.constant 0 : i32
    %dma_wait3A_247 = tpu.memref_slice %arg9[%rem3A_235, %dma_wait3A_245, %dma_wait3A_246] : memref<8x2x128xi32, #tpu.memory_space<vmem>> -> memref<1x2x128xi32, #tpu.memory_space<vmem>>
    %dma_wait3A_248 = tpu.memref_squeeze %dma_wait3A_247 : memref<1x2x128xi32, #tpu.memory_space<vmem>> -> memref<2x128xi32, #tpu.memory_space<vmem>>
    %dma_wait3A_249 = arith.constant 0 : i32
    %dma_wait3A_250 = arith.constant 0 : i32
    %dma_wait3A_251 = tpu.memref_slice %arg4[%add3A, %dma_wait3A_236, %dma_wait3A_249, %dma_wait3A_250] : memref<32x79x2x128xi32, #tpu.memory_space<hbm>> -> memref<1x1x2x128xi32, #tpu.memory_space<hbm>>
    %dma_wait3A_252 = tpu.memref_squeeze %dma_wait3A_251 : memref<1x1x2x128xi32, #tpu.memory_space<hbm>> -> memref<2x128xi32, #tpu.memory_space<hbm>>
    tpu.wait_dma2 semaphore(%arg14 : memref<!tpu.dma_semaphore, #tpu.memory_space<semaphore_mem>>) src(%dma_wait3A_252 : memref<2x128xi32, #tpu.memory_space<hbm>>) dst(%dma_wait3A_248 : memref<2x128xi32, #tpu.memory_space<vmem>>)
    %rem3A_253 = arith.constant 1 : i32
    %rem3A_254 = arith.constant 8 : i32
    %rem3A_255 = arith.remsi %rem3A_253, %rem3A_254 : i32
    %rem3A_256 = arith.constant 1 : i32
    %rem3A_257 = arith.constant 3 : i32
    %rem3A_258 = arith.remsi %rem3A_256, %rem3A_257 : i32
    %mul3A_259 = arith.constant 128 : i32
    %mul3A_260 = arith.muli %rem3A_258, %mul3A_259 : i32
    %dma_start3A_261 = arith.constant 0 : i32
    %dma_start3A_262 = arith.constant 0 : i32
    %dma_start3A_263 = tpu.memref_slice %arg11[%mul3A_260, %dma_start3A_262] : memref<384x128xf32, #tpu.memory_space<vmem>> -> memref<128x128xf32, #tpu.memory_space<vmem>>
    %dma_start3A_264 = arith.constant 0 : i32
    %dma_start3A_265 = arith.constant 0 : i32
    %dma_start3A_266 = tpu.memref_slice %arg9[%rem3A_255, %dma_start3A_264, %dma_start3A_265] : memref<8x2x128xi32, #tpu.memory_space<vmem>> -> memref<1x2x128xi32, #tpu.memory_space<vmem>>
    %dma_start3A_267 = tpu.memref_squeeze %dma_start3A_266 : memref<1x2x128xi32, #tpu.memory_space<vmem>> -> memref<2x128xi32, #tpu.memory_space<vmem>>
    %dma_start3A_268 = arith.constant 0 : i32
    %dma_start3A_269 = tpu.memref_slice %dma_start3A_267[%dma_start3A_261, %dma_start3A_268] : memref<2x128xi32, #tpu.memory_space<vmem>> -> memref<1x128xi32, #tpu.memory_space<vmem>>
    %dma_start3A_270 = tpu.memref_squeeze %dma_start3A_269 : memref<1x128xi32, #tpu.memory_space<vmem>> -> memref<128xi32, #tpu.memory_space<vmem>>
    %dma_start3A_271 = arith.constant 0 : i32
    %dma_start3A_272 = arith.constant 0 : i32
    %dma_start3A_273 = tpu.memref_slice %arg2[%dma_start3A_271, %dma_start3A_272] : memref<131072x128xf32, #tpu.memory_space<hbm>> -> memref<131072x128xf32, #tpu.memory_space<hbm>>
    tpu.enqueue_indirect_dma source(%dma_start3A_273 : memref<131072x128xf32, #tpu.memory_space<hbm>>) target(%dma_start3A_263 : memref<128x128xf32, #tpu.memory_space<vmem>>) offsets(%dma_start3A_270 : memref<128xi32, #tpu.memory_space<vmem>>) semaphore(%arg15 : memref<!tpu.dma_semaphore, #tpu.memory_space<semaphore_mem>>)
    %scan3A = arith.constant 0 : i32
    %scan3A_274 = arith.constant 0 : i32
    %scan3A_275 = arith.constant 79 : i32
    %scan3A_276 = arith.addi %scan3A_274, %scan3A_275 : i32
    %scan3A_277 = arith.constant 1 : i32
    %scan3A_278 = scf.for %scan3A_285 = %scan3A_274 to %scan3A_276 step %scan3A_277 iter_args(%scan3A_286 = %scan3A) -> (i32)  : i32 {
      %add3A_287 = arith.constant 2 : i32
      %add3A_288 = arith.addi %scan3A_285, %add3A_287 : i32
      %lt3A = arith.constant 79 : i32
      %lt3A_289 = arith.cmpi slt, %add3A_288, %lt3A : i32
      %convert_element_type3A = arith.extui %lt3A_289 : i1 to i32
      %cond3A = arith.constant 0 : i32
      %cond3A_290 = arith.cmpi ne, %convert_element_type3A, %cond3A : i32
      scf.if %cond3A_290 {
        %add3A_331 = arith.constant 2 : i32
        %add3A_332 = arith.addi %scan3A_285, %add3A_331 : i32
        %add3A_333 = arith.constant 2 : i32
        %add3A_334 = arith.addi %scan3A_285, %add3A_333 : i32
        %rem3A_335 = arith.constant 8 : i32
        %rem3A_336 = arith.remsi %add3A_334, %rem3A_335 : i32
        %dma_wait3A_337 = arith.constant 0 : i32
        %dma_wait3A_338 = arith.constant 0 : i32
        %dma_wait3A_339 = tpu.memref_slice %arg9[%rem3A_336, %dma_wait3A_337, %dma_wait3A_338] : memref<8x2x128xi32, #tpu.memory_space<vmem>> -> memref<1x2x128xi32, #tpu.memory_space<vmem>>
        %dma_wait3A_340 = tpu.memref_squeeze %dma_wait3A_339 : memref<1x2x128xi32, #tpu.memory_space<vmem>> -> memref<2x128xi32, #tpu.memory_space<vmem>>
        %dma_wait3A_341 = arith.constant 0 : i32
        %dma_wait3A_342 = arith.constant 0 : i32
        %dma_wait3A_343 = tpu.memref_slice %arg4[%add3A, %add3A_332, %dma_wait3A_341, %dma_wait3A_342] : memref<32x79x2x128xi32, #tpu.memory_space<hbm>> -> memref<1x1x2x128xi32, #tpu.memory_space<hbm>>
        %dma_wait3A_344 = tpu.memref_squeeze %dma_wait3A_343 : memref<1x1x2x128xi32, #tpu.memory_space<hbm>> -> memref<2x128xi32, #tpu.memory_space<hbm>>
        %dma_wait3A_345 = arith.constant 0 : i32
        %dma_wait3A_346 = arith.constant 0 : i32
        %dma_wait3A_347 = tpu.memref_slice %arg9[%rem3A_336, %dma_wait3A_345, %dma_wait3A_346] : memref<8x2x128xi32, #tpu.memory_space<vmem>> -> memref<1x2x128xi32, #tpu.memory_space<vmem>>
        %dma_wait3A_348 = tpu.memref_squeeze %dma_wait3A_347 : memref<1x2x128xi32, #tpu.memory_space<vmem>> -> memref<2x128xi32, #tpu.memory_space<vmem>>
        %dma_wait3A_349 = arith.constant 0 : i32
        %dma_wait3A_350 = arith.constant 0 : i32
        %dma_wait3A_351 = tpu.memref_slice %arg4[%add3A, %add3A_332, %dma_wait3A_349, %dma_wait3A_350] : memref<32x79x2x128xi32, #tpu.memory_space<hbm>> -> memref<1x1x2x128xi32, #tpu.memory_space<hbm>>
        %dma_wait3A_352 = tpu.memref_squeeze %dma_wait3A_351 : memref<1x1x2x128xi32, #tpu.memory_space<hbm>> -> memref<2x128xi32, #tpu.memory_space<hbm>>
        tpu.wait_dma2 semaphore(%arg14 : memref<!tpu.dma_semaphore, #tpu.memory_space<semaphore_mem>>) src(%dma_wait3A_352 : memref<2x128xi32, #tpu.memory_space<hbm>>) dst(%dma_wait3A_348 : memref<2x128xi32, #tpu.memory_space<vmem>>)
      } else {
      }
      %add3A_291 = arith.constant 7 : i32
      %add3A_292 = arith.addi %scan3A_285, %add3A_291 : i32
      %lt3A_293 = arith.constant 79 : i32
      %lt3A_294 = arith.cmpi slt, %add3A_292, %lt3A_293 : i32
      %convert_element_type3A_295 = arith.extui %lt3A_294 : i1 to i32
      %cond3A_296 = arith.constant 0 : i32
      %cond3A_297 = arith.cmpi ne, %convert_element_type3A_295, %cond3A_296 : i32
      scf.if %cond3A_297 {
        %add3A_331 = arith.constant 7 : i32
        %add3A_332 = arith.addi %scan3A_285, %add3A_331 : i32
        %add3A_333 = arith.constant 7 : i32
        %add3A_334 = arith.addi %scan3A_285, %add3A_333 : i32
        %rem3A_335 = arith.constant 8 : i32
        %rem3A_336 = arith.remsi %add3A_334, %rem3A_335 : i32
        %dma_start3A_337 = arith.constant 0 : i32
        %dma_start3A_338 = arith.constant 0 : i32
        %dma_start3A_339 = tpu.memref_slice %arg9[%rem3A_336, %dma_start3A_337, %dma_start3A_338] : memref<8x2x128xi32, #tpu.memory_space<vmem>> -> memref<1x2x128xi32, #tpu.memory_space<vmem>>
        %dma_start3A_340 = tpu.memref_squeeze %dma_start3A_339 : memref<1x2x128xi32, #tpu.memory_space<vmem>> -> memref<2x128xi32, #tpu.memory_space<vmem>>
        %dma_start3A_341 = arith.constant 0 : i32
        %dma_start3A_342 = arith.constant 0 : i32
        %dma_start3A_343 = tpu.memref_slice %arg4[%add3A, %add3A_332, %dma_start3A_341, %dma_start3A_342] : memref<32x79x2x128xi32, #tpu.memory_space<hbm>> -> memref<1x1x2x128xi32, #tpu.memory_space<hbm>>
        %dma_start3A_344 = tpu.memref_squeeze %dma_start3A_343 : memref<1x1x2x128xi32, #tpu.memory_space<hbm>> -> memref<2x128xi32, #tpu.memory_space<hbm>>
        %dma_start3A_345 = arith.constant 0 : i32
        %dma_start3A_346 = arith.constant 0 : i32
        %dma_start3A_347 = tpu.memref_slice %arg9[%rem3A_336, %dma_start3A_345, %dma_start3A_346] : memref<8x2x128xi32, #tpu.memory_space<vmem>> -> memref<1x2x128xi32, #tpu.memory_space<vmem>>
        %dma_start3A_348 = tpu.memref_squeeze %dma_start3A_347 : memref<1x2x128xi32, #tpu.memory_space<vmem>> -> memref<2x128xi32, #tpu.memory_space<vmem>>
        %dma_start3A_349 = arith.constant 0 : i32
        %dma_start3A_350 = arith.constant 0 : i32
        %dma_start3A_351 = tpu.memref_slice %arg4[%add3A, %add3A_332, %dma_start3A_349, %dma_start3A_350] : memref<32x79x2x128xi32, #tpu.memory_space<hbm>> -> memref<1x1x2x128xi32, #tpu.memory_space<hbm>>
        %dma_start3A_352 = tpu.memref_squeeze %dma_start3A_351 : memref<1x1x2x128xi32, #tpu.memory_space<hbm>> -> memref<2x128xi32, #tpu.memory_space<hbm>>
        tpu.enqueue_dma source(%dma_start3A_352 : memref<2x128xi32, #tpu.memory_space<hbm>>) target(%dma_start3A_348 : memref<2x128xi32, #tpu.memory_space<vmem>>) target_semaphore(%arg14 : memref<!tpu.dma_semaphore, #tpu.memory_space<semaphore_mem>>)
      } else {
      }
      %rem3A_298 = arith.constant 8 : i32
      %rem3A_299 = arith.remsi %scan3A_285, %rem3A_298 : i32
      %rem3A_300 = arith.constant 3 : i32
      %rem3A_301 = arith.remsi %scan3A_285, %rem3A_300 : i32
      %mul3A_302 = arith.constant 128 : i32
      %mul3A_303 = arith.muli %rem3A_301, %mul3A_302 : i32
      %dma_wait3A_304 = arith.constant 0 : i32
      %dma_wait3A_305 = arith.constant 0 : i32
      %dma_wait3A_306 = tpu.memref_slice %arg11[%mul3A_303, %dma_wait3A_305] : memref<384x128xf32, #tpu.memory_space<vmem>> -> memref<128x128xf32, #tpu.memory_space<vmem>>
      %dma_wait3A_307 = arith.constant 0 : i32
      %dma_wait3A_308 = arith.constant 0 : i32
      %dma_wait3A_309 = tpu.memref_slice %arg9[%rem3A_299, %dma_wait3A_307, %dma_wait3A_308] : memref<8x2x128xi32, #tpu.memory_space<vmem>> -> memref<1x2x128xi32, #tpu.memory_space<vmem>>
      %dma_wait3A_310 = tpu.memref_squeeze %dma_wait3A_309 : memref<1x2x128xi32, #tpu.memory_space<vmem>> -> memref<2x128xi32, #tpu.memory_space<vmem>>
      %dma_wait3A_311 = arith.constant 0 : i32
      %dma_wait3A_312 = tpu.memref_slice %dma_wait3A_310[%dma_wait3A_304, %dma_wait3A_311] : memref<2x128xi32, #tpu.memory_space<vmem>> -> memref<1x128xi32, #tpu.memory_space<vmem>>
      %dma_wait3A_313 = tpu.memref_squeeze %dma_wait3A_312 : memref<1x128xi32, #tpu.memory_space<vmem>> -> memref<128xi32, #tpu.memory_space<vmem>>
      %dma_wait3A_314 = arith.constant 0 : i32
      %dma_wait3A_315 = arith.constant 0 : i32
      %dma_wait3A_316 = tpu.memref_slice %arg2[%dma_wait3A_314, %dma_wait3A_315] : memref<131072x128xf32, #tpu.memory_space<hbm>> -> memref<131072x128xf32, #tpu.memory_space<hbm>>
      tpu.wait_indirect_dma semaphore(%arg15 : memref<!tpu.dma_semaphore, #tpu.memory_space<semaphore_mem>>) src(%dma_wait3A_316 : memref<131072x128xf32, #tpu.memory_space<hbm>>) dst(%dma_wait3A_306 : memref<128x128xf32, #tpu.memory_space<vmem>>)
      %add3A_317 = arith.constant 2 : i32
      %add3A_318 = arith.addi %scan3A_285, %add3A_317 : i32
      %lt3A_319 = arith.constant 79 : i32
      %lt3A_320 = arith.cmpi slt, %add3A_318, %lt3A_319 : i32
      %convert_element_type3A_321 = arith.extui %lt3A_320 : i1 to i32
      %cond3A_322 = arith.constant 0 : i32
      %cond3A_323 = arith.cmpi ne, %convert_element_type3A_321, %cond3A_322 : i32
      scf.if %cond3A_323 {
        %add3A_331 = arith.constant 2 : i32
        %add3A_332 = arith.addi %scan3A_285, %add3A_331 : i32
        %rem3A_333 = arith.constant 8 : i32
        %rem3A_334 = arith.remsi %add3A_332, %rem3A_333 : i32
        %rem3A_335 = arith.constant 3 : i32
        %rem3A_336 = arith.remsi %add3A_332, %rem3A_335 : i32
        %mul3A_337 = arith.constant 128 : i32
        %mul3A_338 = arith.muli %rem3A_336, %mul3A_337 : i32
        %dma_start3A_339 = arith.constant 0 : i32
        %dma_start3A_340 = arith.constant 0 : i32
        %dma_start3A_341 = tpu.memref_slice %arg11[%mul3A_338, %dma_start3A_340] : memref<384x128xf32, #tpu.memory_space<vmem>> -> memref<128x128xf32, #tpu.memory_space<vmem>>
        %dma_start3A_342 = arith.constant 0 : i32
        %dma_start3A_343 = arith.constant 0 : i32
        %dma_start3A_344 = tpu.memref_slice %arg9[%rem3A_334, %dma_start3A_342, %dma_start3A_343] : memref<8x2x128xi32, #tpu.memory_space<vmem>> -> memref<1x2x128xi32, #tpu.memory_space<vmem>>
        %dma_start3A_345 = tpu.memref_squeeze %dma_start3A_344 : memref<1x2x128xi32, #tpu.memory_space<vmem>> -> memref<2x128xi32, #tpu.memory_space<vmem>>
        %dma_start3A_346 = arith.constant 0 : i32
        %dma_start3A_347 = tpu.memref_slice %dma_start3A_345[%dma_start3A_339, %dma_start3A_346] : memref<2x128xi32, #tpu.memory_space<vmem>> -> memref<1x128xi32, #tpu.memory_space<vmem>>
        %dma_start3A_348 = tpu.memref_squeeze %dma_start3A_347 : memref<1x128xi32, #tpu.memory_space<vmem>> -> memref<128xi32, #tpu.memory_space<vmem>>
        %dma_start3A_349 = arith.constant 0 : i32
        %dma_start3A_350 = arith.constant 0 : i32
        %dma_start3A_351 = tpu.memref_slice %arg2[%dma_start3A_349, %dma_start3A_350] : memref<131072x128xf32, #tpu.memory_space<hbm>> -> memref<131072x128xf32, #tpu.memory_space<hbm>>
        tpu.enqueue_indirect_dma source(%dma_start3A_351 : memref<131072x128xf32, #tpu.memory_space<hbm>>) target(%dma_start3A_341 : memref<128x128xf32, #tpu.memory_space<vmem>>) offsets(%dma_start3A_348 : memref<128xi32, #tpu.memory_space<vmem>>) semaphore(%arg15 : memref<!tpu.dma_semaphore, #tpu.memory_space<semaphore_mem>>)
      } else {
      }
      %rem3A_324 = arith.constant 3 : i32
      %rem3A_325 = arith.remsi %scan3A_285, %rem3A_324 : i32
      %mul3A_326 = arith.constant 128 : i32
      %mul3A_327 = arith.muli %rem3A_325, %mul3A_326 : i32
      %rem3A_328 = arith.constant 8 : i32
      %rem3A_329 = arith.remsi %scan3A_285, %rem3A_328 : i32
      %run_scoped3A = arith.constant 1 : i32
      "tpu.region"() ({
        %run_scoped3A_331 = tpu.sem_alloc : memref<!tpu.dma_semaphore, #tpu.memory_space<semaphore_mem>>
        %dma_start3A_332 = arith.constant 0 : i32
        %dma_start3A_333 = tpu.memref_slice %arg11[%mul3A_327, %dma_start3A_332] : memref<384x128xf32, #tpu.memory_space<vmem>> -> memref<128x128xf32, #tpu.memory_space<vmem>>
        %dma_start3A_334 = arith.constant 0 : i32
        %dma_start3A_335 = arith.constant 0 : i32
        %dma_start3A_336 = tpu.memref_slice %arg9[%rem3A_329, %dma_start3A_334, %dma_start3A_335] : memref<8x2x128xi32, #tpu.memory_space<vmem>> -> memref<1x2x128xi32, #tpu.memory_space<vmem>>
        %dma_start3A_337 = tpu.memref_squeeze %dma_start3A_336 : memref<1x2x128xi32, #tpu.memory_space<vmem>> -> memref<2x128xi32, #tpu.memory_space<vmem>>
        %dma_start3A_338 = arith.constant 0 : i32
        %dma_start3A_339 = tpu.memref_slice %dma_start3A_337[%run_scoped3A, %dma_start3A_338] : memref<2x128xi32, #tpu.memory_space<vmem>> -> memref<1x128xi32, #tpu.memory_space<vmem>>
        %dma_start3A_340 = tpu.memref_squeeze %dma_start3A_339 : memref<1x128xi32, #tpu.memory_space<vmem>> -> memref<128xi32, #tpu.memory_space<vmem>>
        %dma_start3A_341 = arith.constant 0 : i32
        %dma_start3A_342 = arith.constant 0 : i32
        %dma_start3A_343 = tpu.memref_slice %arg12[%dma_start3A_341, %dma_start3A_342] : memref<8320x128xf32, #tpu.memory_space<vmem_shared>> -> memref<8320x128xf32, #tpu.memory_space<vmem_shared>>
        tpu.enqueue_indirect_dma source(%dma_start3A_333 : memref<128x128xf32, #tpu.memory_space<vmem>>) target(%dma_start3A_343 : memref<8320x128xf32, #tpu.memory_space<vmem_shared>>) offsets(%dma_start3A_340 : memref<128xi32, #tpu.memory_space<vmem>>) semaphore(%run_scoped3A_331 : memref<!tpu.dma_semaphore, #tpu.memory_space<semaphore_mem>>) {add = true}
        %dma_wait3A_344 = arith.constant 0 : i32
        %dma_wait3A_345 = tpu.memref_slice %arg11[%mul3A_327, %dma_wait3A_344] : memref<384x128xf32, #tpu.memory_space<vmem>> -> memref<128x128xf32, #tpu.memory_space<vmem>>
        %dma_wait3A_346 = arith.constant 0 : i32
        %dma_wait3A_347 = arith.constant 0 : i32
        %dma_wait3A_348 = tpu.memref_slice %arg9[%rem3A_329, %dma_wait3A_346, %dma_wait3A_347] : memref<8x2x128xi32, #tpu.memory_space<vmem>> -> memref<1x2x128xi32, #tpu.memory_space<vmem>>
        %dma_wait3A_349 = tpu.memref_squeeze %dma_wait3A_348 : memref<1x2x128xi32, #tpu.memory_space<vmem>> -> memref<2x128xi32, #tpu.memory_space<vmem>>
        %dma_wait3A_350 = arith.constant 0 : i32
        %dma_wait3A_351 = tpu.memref_slice %dma_wait3A_349[%run_scoped3A, %dma_wait3A_350] : memref<2x128xi32, #tpu.memory_space<vmem>> -> memref<1x128xi32, #tpu.memory_space<vmem>>
        %dma_wait3A_352 = tpu.memref_squeeze %dma_wait3A_351 : memref<1x128xi32, #tpu.memory_space<vmem>> -> memref<128xi32, #tpu.memory_space<vmem>>
        %dma_wait3A_353 = arith.constant 0 : i32
        %dma_wait3A_354 = arith.constant 0 : i32
        %dma_wait3A_355 = tpu.memref_slice %arg12[%dma_wait3A_353, %dma_wait3A_354] : memref<8320x128xf32, #tpu.memory_space<vmem_shared>> -> memref<8320x128xf32, #tpu.memory_space<vmem_shared>>
        tpu.wait_indirect_dma semaphore(%run_scoped3A_331 : memref<!tpu.dma_semaphore, #tpu.memory_space<semaphore_mem>>) src(%dma_wait3A_345 : memref<128x128xf32, #tpu.memory_space<vmem>>) dst(%dma_wait3A_355 : memref<8320x128xf32, #tpu.memory_space<vmem_shared>>)
        tpu.yield
      }) : () -> ()
      %scan3A_330 = arith.constant 0 : i32
      scf.yield %scan3A_330 : i32
    }
    %scan3A_279 = arith.constant 79 : i32
    %barrier3A_280 = arith.constant 0 : index
    tpu.barrier barrier_id(%barrier3A_280)
    %mul3A_281 = arith.constant 512 : i32
    %mul3A_282 = arith.muli %arg1, %mul3A_281 : i32
    %mul3A_283 = arith.constant 512 : i32
    %mul3A_284 = arith.muli %arg1, %mul3A_283 : i32
    "tpu.region"() ({
      %run_scoped3A = tpu.sem_alloc : memref<!tpu.dma_semaphore, #tpu.memory_space<semaphore_mem>>
      %dma_start3A_285 = arith.constant 0 : i32
      %dma_start3A_286 = tpu.memref_slice %arg8[%arg0, %mul3A_284, %dma_start3A_285] : memref<2x8192x128xf32, #tpu.memory_space<hbm>> -> memref<1x512x128xf32, #tpu.memory_space<hbm>>
      %dma_start3A_287 = tpu.memref_squeeze %dma_start3A_286 : memref<1x512x128xf32, #tpu.memory_space<hbm>> -> memref<512x128xf32, #tpu.memory_space<hbm>>
      %dma_start3A_288 = arith.constant 0 : i32
      %dma_start3A_289 = tpu.memref_slice %arg12[%mul3A_282, %dma_start3A_288] : memref<8320x128xf32, #tpu.memory_space<vmem_shared>> -> memref<512x128xf32, #tpu.memory_space<vmem_shared>>
      tpu.enqueue_dma source(%dma_start3A_289 : memref<512x128xf32, #tpu.memory_space<vmem_shared>>) target(%dma_start3A_287 : memref<512x128xf32, #tpu.memory_space<hbm>>) target_semaphore(%run_scoped3A : memref<!tpu.dma_semaphore, #tpu.memory_space<semaphore_mem>>)
      %dma_wait3A_290 = arith.constant 0 : i32
      %dma_wait3A_291 = tpu.memref_slice %arg8[%arg0, %mul3A_284, %dma_wait3A_290] : memref<2x8192x128xf32, #tpu.memory_space<hbm>> -> memref<1x512x128xf32, #tpu.memory_space<hbm>>
      %dma_wait3A_292 = tpu.memref_squeeze %dma_wait3A_291 : memref<1x512x128xf32, #tpu.memory_space<hbm>> -> memref<512x128xf32, #tpu.memory_space<hbm>>
      %dma_wait3A_293 = arith.constant 0 : i32
      %dma_wait3A_294 = tpu.memref_slice %arg12[%mul3A_282, %dma_wait3A_293] : memref<8320x128xf32, #tpu.memory_space<vmem_shared>> -> memref<512x128xf32, #tpu.memory_space<vmem_shared>>
      tpu.wait_dma2 semaphore(%run_scoped3A : memref<!tpu.dma_semaphore, #tpu.memory_space<semaphore_mem>>) src(%dma_wait3A_294 : memref<512x128xf32, #tpu.memory_space<vmem_shared>>) dst(%dma_wait3A_292 : memref<512x128xf32, #tpu.memory_space<hbm>>)
      tpu.yield
    }) : () -> ()
    return
  }
}

module attributes {stable_mosaic.version = 14 : i64} {
  func.func @_tc_body(%arg0: i32, %arg1: memref<1024x128xf32, #tpu.memory_space<vmem>>, %arg2: memref<1024x128xf32, #tpu.memory_space<vmem>>, %arg3: memref<1024x128xf32, #tpu.memory_space<vmem>>, %arg4: memref<128x256xf32, #tpu.memory_space<vmem>>, %arg5: memref<1024x128xf32, #tpu.memory_space<vmem>>) attributes {dimension_semantics = [#tpu.dimension_semantics<arbitrary>], iteration_bounds = array<i64: 8>, scalar_prefetch = 0 : i64, scratch_operands = 0 : i64, tpu.core_type = #tpu.core_type<tc>, window_params = [{transform_indices = @transform_0, window_bounds = array<i64: 1024, 128>}, {transform_indices = @transform_1, window_bounds = array<i64: 1024, 128>}, {transform_indices = @transform_2, window_bounds = array<i64: 1024, 128>}, {pipeline_mode = #tpu.pipeline_mode<synchronous>, transform_indices = @transform_3, window_bounds = array<i64: 128, 256>}, {transform_indices = @transform_4, window_bounds = array<i64: 1024, 128>}]} {
    %get3A = arith.constant 0 : index
    %get3A_0 = arith.constant 0 : index
    %get3A_1 = vector.load %arg4[%get3A, %get3A_0] : memref<128x256xf32, #tpu.memory_space<vmem>>, vector<128x256xf32>
    %get3A_2 = arith.constant 0 : index
    %get3A_3 = arith.constant 0 : index
    %get3A_4 = vector.load %arg1[%get3A_2, %get3A_3] : memref<1024x128xf32, #tpu.memory_space<vmem>>, vector<1024x128xf32>
    %slice3A = vector.extract_strided_slice %get3A_1 {offsets = [0, 0], sizes = [128, 128], strides = [1, 1]} : vector<128x256xf32> to vector<128x128xf32>
    %dot_general3A = arith.constant dense<0.000000e+00> : vector<1024x128xf32>
    %dot_general3A_5 = tpu.matmul %get3A_4, %slice3A, %dot_general3A {dimension_numbers = #tpu.dot_dimension_numbers<[1], [1], [0], [0], [0, 0, 1, 0], [], []>, transpose_lhs_hint = false} : vector<1024x128xf32>, vector<128x128xf32>, vector<1024x128xf32> -> vector<1024x128xf32>
    %get3A_6 = arith.constant 0 : index
    %get3A_7 = arith.constant 0 : index
    %get3A_8 = vector.load %arg2[%get3A_6, %get3A_7] : memref<1024x128xf32, #tpu.memory_space<vmem>>, vector<1024x128xf32>
    %get3A_9 = arith.constant 0 : index
    %get3A_10 = arith.constant 0 : index
    %get3A_11 = vector.load %arg3[%get3A_9, %get3A_10] : memref<1024x128xf32, #tpu.memory_space<vmem>>, vector<1024x128xf32>
    %add3A = arith.addf %get3A_8, %get3A_11 : vector<1024x128xf32>
    %slice3A_12 = vector.extract_strided_slice %get3A_1 {offsets = [0, 128], sizes = [128, 128], strides = [1, 1]} : vector<128x256xf32> to vector<128x128xf32>
    %dot_general3A_13 = arith.constant dense<0.000000e+00> : vector<1024x128xf32>
    %dot_general3A_14 = tpu.matmul %add3A, %slice3A_12, %dot_general3A_13 {dimension_numbers = #tpu.dot_dimension_numbers<[1], [1], [0], [0], [0, 0, 1, 0], [], []>, transpose_lhs_hint = false} : vector<1024x128xf32>, vector<128x128xf32>, vector<1024x128xf32> -> vector<1024x128xf32>
    %add3A_15 = arith.addf %dot_general3A_5, %dot_general3A_14 : vector<1024x128xf32>
    %max3A = arith.constant 0.000000e+00 : f32
    %max3A_16 = vector.broadcast %max3A : f32 to vector<1024x128xf32>
    %max3A_17 = arith.maximumf %add3A_15, %max3A_16 : vector<1024x128xf32>
    %swap3A = arith.constant 0 : index
    %swap3A_18 = arith.constant 0 : index
    %swap3A_19 = vector.load %arg5[%swap3A, %swap3A_18] : memref<1024x128xf32, #tpu.memory_space<vmem>>, vector<1024x128xf32>
    tpu.vector_store %arg5[%swap3A, %swap3A_18], %max3A_17 {strides = array<i32>} : memref<1024x128xf32, #tpu.memory_space<vmem>>, vector<1024x128xf32>,
    return
  }
  func.func @transform_0(%arg0: i32) -> (i32, i32) {
    %c0_i32 = arith.constant 0 : i32
    %c0_i32_0 = arith.constant 0 : i32
    return %arg0, %c0_i32 : i32, i32
  }
  func.func @transform_1(%arg0: i32) -> (i32, i32) {
    %c0_i32 = arith.constant 0 : i32
    %c0_i32_0 = arith.constant 0 : i32
    return %arg0, %c0_i32 : i32, i32
  }
  func.func @transform_2(%arg0: i32) -> (i32, i32) {
    %c0_i32 = arith.constant 0 : i32
    %c0_i32_0 = arith.constant 0 : i32
    return %arg0, %c0_i32 : i32, i32
  }
  func.func @transform_3(%arg0: i32) -> (i32, i32) {
    %c0_i32 = arith.constant 0 : i32
    %c0_i32_0 = arith.constant 0 : i32
    %c0_i32_1 = arith.constant 0 : i32
    return %c0_i32, %c0_i32_0 : i32, i32
  }
  func.func @transform_4(%arg0: i32) -> (i32, i32) {
    %c0_i32 = arith.constant 0 : i32
    %c0_i32_0 = arith.constant 0 : i32
    return %arg0, %c0_i32 : i32, i32
  }
}

</mosaic_0001>

<sc_bundles>
// kernel: kernel.4.cloned.1.call-start
scs
__scs_entry_jumppad:
0x0: {  	(pc) =	sbr.rel $0x88, $3  }
0x1: {  	(tag) =	ssettag $0x0;
	lr =	simm.s32 $0x1  }
0x2: {  	[smem:$0x3F9A] =	sst lr;
	_ =	strace $0xD0000000  }
0x3: {  	_ = 	snop  }
0x4: {  	_ = 	snop  }
0x5: {  	_ = 	snop  }
0x6: {  	_ = 	snop  }
0x7: {  	_ = 	snop  }
__scs_overlays_trampoline_lowered:
0x8: {  	[smem:$0x3FA9] =	sst s0  }
0x9: {  	[smem:$0x3FAA] =	sst s1  }
0xa: {  	[smem:$0x3FAB] =	sst s2  }
0xb: {  	[smem:$0x3FAC] =	sst s3  }
0xc: {  	[smem:$0x3FAD] =	sst s4  }
0xd: {  	[smem:$0x3FAE] =	sst s5  }
0xe: {  	[smem:$0x3FAF] =	sst s6  }
0xf: {  	[smem:$0x3FB0] =	sst s7  }
0x10: {  	[smem:$0x3FB1] =	sst s8  }
0x11: {  	[smem:$0x3FB2] =	sst s9;
	s0 =	simm.s32 @!p0 $0x0  }
0x12: {  	s1 =	sld [smem:$0x3F98];
	s0 =	simm.s32 @p0 $0x1  }
0x13: {  	[smem:$0x3FB3] =	sst s0;
	s0 =	simm.s32 @!p1 $0x0  }
0x14: {  	s2 =	sld [smem:$0x3F97];
	s0 =	simm.s32 @p1 $0x1  }
0x15: {  	[smem:$0x3FB4] =	sst s0;
	s0 =	simm.s32 @!p2 $0x0  }
0x16: {  	s3 =	sld [smem:$0x3FDB];
	s0 =	simm.s32 @p2 $0x1  }
0x17: {  	s4 =	simm.s32 $0x1BF5;
	[smem:$0x3FB6] =	sst s0  }
0x18: {  	s0 =	sld [smem:$0x3F99];
	_ =	swait.ge [sflag:s4], $0x0  }
0x19: {  	s7 =	sld [smem:$0x3F9A]  }
0x1a: {  	s8 =	sadd.s32 $0xFFFFE003, lr  }
0x1b: {  	s9 =	sadd.s32 $0xFFFFFEF7, lr;
	s5 =	simm.s32 $0xFFFFFFFF;
	p2 =	slt.u32 s8, $0xFFFFF086  }
0x1c: {  	p1 =	slt.u32 s9, $0xF7A;
	s5 =	simm.s32 @!p2 $0x0  }
0x1d: {  	s5 =	simm.s32 @p1 $0x1;
	p0 =	seq.s32 s7, s2  }
0x1e: {  	s7 =	smul.u32 @!p0 $0xF7A, s2;
	p2 =	seq.s32 @!p0 s5, $0x0  }
0x1f: {  	s9 =	smul.u32 $0xF7A, s1;
	s8 =	simm.s32 @!p0 $0x1BF5;
	p2 =	por !p2, p0  }
0x20: {  	[sflag:s8] =	ssyncset.s32 @!p0 $0xFFFFF086;
	s6 =	sadd.s32 @!p0 s3, s7;
	s7 =	simm.s32 @!p0 $0x108  }
0x21: {  	s3 =	sadd.s32 s3, s9;
	s6 =	sadd.s32 @!p0 $0x88, s6;
	s7 =	simm.s32 @p2 $0x1082  }
0x22: {  	[simem:s7], [sflag:s8] =	dma.local @!p0 [hbm:s6], $0xF7A  }
0x23: {  	s9 =	sor.u32 $0xD0000000, s2;
	s6 =	simm.s32 $0x108;
	_ =	swait.ge @!p0 [sflag:s8], $0x0  }
0x24: {  	s3 =	sadd.s32 $0x88, s3;
	s6 =	simm.s32 @!p1 $0x1082;
	[sflag:s4] =	ssyncset.s32 $0xFFFFF086  }
0x25: {  	[simem:s6], [sflag:s4] =	dma.local [hbm:s3], $0xF7A  }
0x26: {  	[smem:$0x3F9A] =	sst s1;
	(tag) =	ssettag s2;
	_ =	strace s9  }
0x27: {  	s1 =	sld [smem:$0x3FAA]  }
0x28: {  	s2 =	sld [smem:$0x3FAB]  }
0x29: {  	s4 =	sld [smem:$0x3FAD]  }
0x2a: {  	p0 =	seq.s32 s5, $0x0;
	s5 =	sld [smem:$0x3FAE]  }
0x2b: {  	s6 =	sld [smem:$0x3FAF]  }
0x2c: {  	s7 =	sld [smem:$0x3FB0]  }
0x2d: {  	s3 =	simm.s32 $0x108;
	s8 =	sld [smem:$0x3FB1]  }
0x2e: {  	s3 =	simm.s32 @!p0 $0x1082;
	s9 =	sld [smem:$0x3FB2]  }
0x2f: {  	lr =	sadd.s32 s0, s3;
	s0 =	sld [smem:$0x3FA9]  }
0x30: {  	s3 =	sld [smem:$0x3FAC]  }
0x31: {  	[smem:$0x3FB5] =	sst s10  }
0x32: {  	s10 =	sld [smem:$0x3FB3];
	_ =	sdelay $0x3  }
0x33: {  	p0 =	seq.s32 s10, $0x1;
	s10 =	sld [smem:$0x3FB5];
	_ =	sdelay $0x3  }
0x34: {  	[smem:$0x3FB5] =	sst s10  }
0x35: {  	s10 =	sld [smem:$0x3FB4];
	_ =	sdelay $0x3  }
0x36: {  	p1 =	seq.s32 s10, $0x1;
	s10 =	sld [smem:$0x3FB5];
	_ =	sdelay $0x3  }
0x37: {  	[smem:$0x3FB5] =	sst s10  }
0x38: {  	s10 =	sld [smem:$0x3FB6]  }
0x39: {  	_ = 	snop;
	(pc) =	sbr.ind lr, $3  }
0x3a: {  	_ = 	snop  }
0x3b: {  	_ = 	snop  }
0x3c: {  	p2 =	seq.s32 s10, $0x1;
	s10 =	sld [smem:$0x3FB5]  }
0x3d: {  	_ =	shalt  }
0x3e: {  	_ =	shalt  }
0x3f: {  	_ =	shalt  }
0x40: {  	_ =	shalt  }
0x41: {  	_ =	shalt  }
0x42: {  	_ =	shalt  }
0x43: {  	_ =	shalt  }
0x44: {  	_ =	shalt  }
0x45: {  	_ =	shalt  }
0x46: {  	_ =	shalt  }
0x47: {  	_ =	shalt  }
0x48: {  	_ =	shalt  }
0x49: {  	_ =	shalt  }
0x4a: {  	_ =	shalt  }
0x4b: {  	_ =	shalt  }
0x4c: {  	_ =	shalt  }
0x4d: {  	_ =	shalt  }
0x4e: {  	_ =	shalt  }
0x4f: {  	_ =	shalt  }
0x50: {  	_ =	shalt  }
0x51: {  	_ =	shalt  }
0x52: {  	_ =	shalt  }
0x53: {  	_ =	shalt  }
0x54: {  	_ =	shalt  }
0x55: {  	_ =	shalt  }
0x56: {  	_ =	shalt  }
0x57: {  	_ =	shalt  }
0x58: {  	_ =	shalt  }
0x59: {  	_ =	shalt  }
0x5a: {  	_ =	shalt  }
0x5b: {  	_ =	shalt  }
0x5c: {  	_ =	shalt  }
0x5d: {  	_ =	shalt  }
0x5e: {  	_ =	shalt  }
0x5f: {  	_ =	shalt  }
0x60: {  	_ =	shalt  }
0x61: {  	_ =	shalt  }
0x62: {  	_ =	shalt  }
0x63: {  	_ =	shalt  }
0x64: {  	_ =	shalt  }
0x65: {  	_ =	shalt  }
0x66: {  	_ =	shalt  }
0x67: {  	_ =	shalt  }
0x68: {  	_ =	shalt  }
0x69: {  	_ =	shalt  }
0x6a: {  	_ =	shalt  }
0x6b: {  	_ =	shalt  }
0x6c: {  	_ =	shalt  }
0x6d: {  	_ =	shalt  }
0x6e: {  	_ =	shalt  }
0x6f: {  	_ =	shalt  }
0x70: {  	_ =	shalt  }
0x71: {  	_ =	shalt  }
0x72: {  	_ =	shalt  }
0x73: {  	_ =	shalt  }
0x74: {  	_ =	shalt  }
0x75: {  	_ =	shalt  }
0x76: {  	_ =	shalt  }
0x77: {  	_ =	shalt  }
0x78: {  	_ =	shalt  }
0x79: {  	_ =	shalt  }
0x7a: {  	_ =	shalt  }
0x7b: {  	_ =	shalt  }
0x7c: {  	_ =	shalt  }
0x7d: {  	_ =	shalt  }
0x7e: {  	_ =	shalt  }
0x7f: {  	_ =	shalt  }
0x80: {  	_ =	shalt  }
0x81: {  	_ =	shalt  }
0x82: {  	_ =	shalt  }
0x83: {  	_ =	shalt  }
0x84: {  	_ =	shalt  }
0x85: {  	_ =	shalt  }
0x86: {  	_ =	shalt  }
0x87: {  	_ =	shalt  }
.Lfunc_end0:
.L_simem_size_0:
called_computation_lowered:
.L_overlay_start_0:
0x88: {  	s2 =	sld [smem:$0x3FD9]  }
0x89: {  	s3 =	sld [smem:$0x3FFE];
	_ =	sdelay $0x1  }
0x8a: {  	s1 =	srdreg.scid  }
0x8b: {  	s0 =	sand.u32 $0x1, s1  }
0x8c: {  	s17 =	sshll.u32 s0, $0xA;
	s2 =	sadd.s32 s3, s2  }
0x8d: {  	s2 =	sadd.s32 s2, s17  }
0x8e: {  	[smem:$0x3FC1] =	sst s2  }
0x8f: {  	_ = 	snop  }
0x90: {  	s2 =	sld [smem:$0x3FC9]  }
0x91: {  	s18 =	sld [smem:$0x3FC8]  }
0x92: {  	s4 =	sld [smem:$0x3FC6]  }
0x93: {  	s5 =	sld [smem:$0x3FD0];
	(tm) =	ssettm $0x1  }
0x94: {  	s6 =	sld [smem:$0x3FFB];
	_ =	sdelay $0x3  }
0x95: {  	_ =	strace s6  }
0x96: {  	s6 =	sld [smem:$0x3FFC];
	_ =	sdelay $0x3  }
0x97: {  	_ =	strace s6  }
0x98: {  	s6 =	sld [smem:$0x3FFD];
	_ =	sdelay $0x3  }
0x99: {  	_ =	strace s6  }
0x9a: {  	_ =	strace $0x8FFFFFFF  }
0x9b: {  	s19 =	sld [smem:$0x3FDB];
	_ =	sdelay $0x1  }
0x9c: {  	s7 =	simm.s32 $_scs_section_size  }
0x9d: {  	s8 =	simm.s32 $_size__tile_overlayer_lowered;
	s9 =	simm.s32 $_tile_overlayer_lowered  }
0x9e: {  	s22 =	simm.s32 $0x1BFF;
	s21 =	sshll.u32 s9, $0x1;
	s6 =	sadd.s32 s7, s19  }
0x9f: {  	s10 =	simm.s32 $0x0;
	s20 =	sshll.u32 s8, $0x1;
	s8 =	sadd.s32 s21, s6  }
0xa0: {  	[timem:s10], [sflag:s22] =	dma.local [hbm:s8], s20  }
0xa1: {  	_ =	swait.ge [sflag:s22], s20  }
0xa2: {  	s7 =	ssub.s32 $0x0, s20;
	[sflag:s22] =	ssyncset.done $0x0  }
0xa3: {  	[sflag:s22] =	ssyncadd.s32 s7;
	_ =	sdelay $0x1  }
0xa4: {  	s23 =	simm.s32 $0x1B8B  }
0xa5: {  	_ =	swait.ge [sflag:s23], $0x1  }
0xa6: {  	[sflag:s23] =	ssyncset.done $0x0  }
0xa7: {  	s25 =	simm.s32 $0x1B8E;
	s24 =	sld [smem:$0x3FFE];
	[sflag:s23] =	ssyncadd.s32 $0xFFFFFFFF  }
0xa8: {  	s26 =	simm.s32 $execute0_lowered;
	[smem:$0x3FD2] =	sst s25  }
0xa9: {  	s8 =	sshll.u32 s26, $0x1;
	_ =	strace $0x80000046;
	[dreg:$0x1] =	wrdreg $0xFFFFFFFF  }
0xaa: {  	s28 =	simm.s32 $_size_execute0_lowered;
	s6 =	sadd.s32 s6, s8;
	[dreg:$0x0] =	wrdreg $0x0  }
0xab: {  	s8 =	sshll.u32 s28, $0x1;
	[dreg:$0x2] =	wrdreg s6  }
0xac: {  	[dreg:$0x3] =	wrdreg s8  }
0xad: {  	[dreg:$0x4] =	wrdreg $0xC0  }
0xae: {  	_ =	task [dreg:s10], $0x5FFFF  }
0xaf: {  	[dreg:$0x1] =	wrdreg $0xFFFFFFFF  }
0xb0: {  	[dreg:$0x0] =	wrdreg $0x60  }
0xb1: {  	[dreg:$0x2] =	wrdreg s18  }
0xb2: {  	[dreg:$0x3] =	wrdreg s2  }
0xb3: {  	[dreg:$0x4] =	wrdreg s24  }
0xb4: {  	[dreg:$0x5] =	wrdreg s4  }
0xb5: {  	[dreg:$0x6] =	wrdreg s5  }
0xb6: {  	[dreg:$0x7] =	wrdreg $0xC9000  }
0xb7: {  	[dreg:$0x8] =	wrdreg $0x9  }
0xb8: {  	_ =	task.clear_ibuf [dreg:s10], $0x9FFFF;
	_ =	strace $0x90000046  }
0xb9: {  	s29 =	simm.s32 $0x9;
	_ =	strace $0x80000048  }
0xba: {  	_ =	swait.ge [sflag:s29], $0x1  }
0xbb: {  	[sflag:s29] =	ssyncadd.s32 $0xFFFFFFFF  }
0xbc: {  	_ =	strace $0x90000048  }
0xbd: {  	_ =	sfence  }
0xbe: {  	s30 =	sld [smem:$0x0];
	_ =	sdelay $0x2  }
0xbf: {  	s31 =	sshll.u32 s1, $0xD;
	s1 =	sshrl.u32 s1, $0x2  }
0xc0: {  	s3 =	sand.u32 $0x4000, s31;
	s1 =	sadd.s32 s1, s30  }
0xc1: {  	s0 =	sor.u32 s3, s0;
	s1 =	sshll.u32 s1, $0x11  }
0xc2: {  	s0 =	sor.u32 s1, s0  }
0xc3: {  	s0 =	sadd.s32 $0x8F2B, s0  }
0xc4: {  	[sflag:s0] =	ssyncadd.remote.s32 $0x1  }
0xc5: {  	_ =	sfence.sel $0xFFFF  }
0xc6: {  	[dreg:$0x0] =	wrdreg $0xFFFFFFFF;
	(pc) =	sbr.abs _section_cstart, $3  }
0xc7: {  	[dreg:$0x1] =	wrdreg $0xFFFFFFFF  }
0xc8: {  	_ =	task.clear_ibuf [dreg:s10], $0x2FFFF;
	_ =	strace $0x9FFFFFFF  }
0xc9: {  	(tm) =	ssettm $0x7FFFFFFF  }
tec
execute0_lowered:
.L_overlay_start_1:
0x0: {  	(tag) =	ssettag $0x1  }
0x1: {  	s1 =	rddreg [dreg:$0x0]  }
0x2: {  	s0 =	rddreg [dreg:$0x2]  }
0x3: {  	s2 =	rddreg [dreg:$0x3]  }
0x4: {  	s5 =	rddreg [dreg:$0x4]  }
0x5: {  	s3 =	rddreg [dreg:$0x5]  }
0x6: {  	s4 =	simm.s32 $0x0;
	s6 =	srdreg.scid;
	s14 =	stileid.u32  }
0x7: {  	s28 =	simm.s32 $0x1;
	s30 =	simm.s32 $0x100;
	s29 =	simm.s32 $0x3  }
0x8: {  	s31 =	simm.s32 $0x0;
	[smem:$0x7FF] =	sst s4;
	s8 =	sadd.s32 $0x1000, s0  }
0x9: {  	s6 =	sand.u32 $0x1, s6;
	s7 =	sadd.s32 $0x14C00, s0;
	s12 =	smul.u32 $0x41000, s14  }
0xa: {  	s25 =	sshll.u32 s14, $0xD;
	s21 =	smul.u32 $0x4F00, s14;
	_ =	strace $0x80000047  }
0xb: {  	[dreg:$0x7] =	wrdreg s7;
	s9 =	ssub.s32 $0x2, s6;
	s11 =	sshll.u32 s6, $0x4  }
0xc: {  	s0 =	sadd.s32 s25, s0;
	s19 =	smul.u32 $0x4F000, s6;
	s6 =	sshll.u32 s6, $0x11  }
0xd: {  	s10 =	sshrl.u32 s9, $0x1;
	s26 =	sor.u32 s14, s11;
	s11 =	sshrl.u32 s12, $0x2  }
0xe: {  	s12 =	sshll.u32 s14, $0x6;
	s0 =	sadd.s32 s6, s0;
	s9 =	ssub.s32 s9, s10  }
0xf: {  	s15 =	smul.u32 $0x4F00, s26;
	s13 =	sadd.s32 s11, s3;
	s16 =	sshll.u32 s26, $0x5  }
0x10: {  	s7 =	sor.u32 $0x1C04, s12;
	s17 =	sshll.u32 s26, $0xC;
	s2 =	sadd.s32 s2, s16  }
0x11: {  	s26 =	sshll.u32 s14, $0x10;
	s5 =	sadd.s32 s5, s17;
	[dreg:$0x8] =	wrdreg s2  }
0x12: {  	s18 =	sshrl.u32 s15, $0x3;
	[dreg:$0x9] =	wrdreg s5;
	s5 =	sadd.s32 $0x800, s5  }
0x13: {  	s2 =	sadd.s32 s21, s19;
	s19 =	smax.u32 s9, $0x1;
	s10 =	sadd.s32 s8, s18  }
0x14: {  	s21 =	sshrl.u32 s13, $0x3;
	[dreg:$0xa] =	wrdreg s5;
	s20 =	sadd.s32 $0x20, s10  }
0x15: {  	s2 =	sadd.s32 $0x700, s2;
	s22 =	sadd.s32 $0x40, s10;
	[dreg:$0xb] =	wrdreg s20  }
0x16: {  	s18 =	sadd.s32 $0x16E00, s0;
	s23 =	sadd.s32 $0x60, s10;
	[dreg:$0xc] =	wrdreg s22  }
0x17: {  	s0 =	sadd.s32 s26, s3;
	s24 =	sadd.s32 $0x80, s10;
	[dreg:$0xd] =	wrdreg s23  }
0x18: {  	s26 =	simm.s32 $0x900;
	s25 =	sadd.s32 $0xA0, s10;
	[dreg:$0xe] =	wrdreg s24  }
0x19: {  	s17 =	sadd.s32 $0xC0, s10;
	s2 =	sshrl.u32 s2, $0x3;
	[dreg:$0xf] =	wrdreg s25  }
0x1a: {  	s20 =	sadd.s32 s2, s8;
	s22 =	simm.s32 $0x4;
	s23 =	simm.s32 $0x800  }
0x1b: {  	s24 =	simm.s32 $0x80;
	s25 =	sshrl.u32 s0, $0x3;
	s0 =	simm.s32 $0x2  }
.LBB2_1:
0x1c: {  	s2 =	rddreg [dreg:$0x7]  }
0x1d: {  	[spmem:s21], [sflag:s7] =	dma.local [hbm:s2], $0x2080  }
0x1e: {  	_ =	swait.ge [sflag:s22], $0x2080  }
0x1f: {  	[sflag:s22] =	ssyncset.done $0x0  }
0x20: {  	s6 =	rddreg [dreg:$0x8];
	[sflag:s22] =	ssyncadd.s32 $0xFFFFDF80  }
0x21: {  	[tilespmem:s23], [sflag:$0x4] =	stream.linear.gather [hbm4b:s6+s4], $0x100, $0x38;
	[tilespmem:$0x1CD00] =	vst v63  }
0x22: {  	_ =	swait.ge [sflag:s22], $0x100  }
0x23: {  	[sflag:s22] =	ssyncset.done $0x0  }
0x24: {  	[sflag:s22] =	ssyncadd.s32 $0xFFFFFF00  }
0x25: {  	s8 =	rddreg [dreg:$0x1]  }
0x26: {  	[tilespmem:s26], [sflag:$0x1] =	stream.indirect.gather [hbm4b:s8+s24], $0x80, s23, s24, $0xb8;
	[tilespmem:$0x1CD00] =	vst v63  }
0x27: {  	_ =	swait.ge [sflag:s28], $0x4000  }
0x28: {  	[sflag:s28] =	ssyncset.done $0x0  }
0x29: {  	s5 =	rddreg [dreg:$0x9];
	[sflag:s28] =	ssyncadd.s32 $0xFFFFC000  }
0x2a: {  	[hbm4b:s5+s4] =	stream.linear.scatter [tilespmem:s26], [sflag:$0x4], $0x4000, $0x38;
	[tilespmem:$0x1CD00] =	vst v63  }
0x2b: {  	_ =	swait.ge [sflag:s22], $0x4000  }
0x2c: {  	[sflag:s22] =	ssyncset.done $0x0  }
0x2d: {  	s9 =	simm.s32 $0x880;
	[sflag:s22] =	ssyncadd.s32 $0xFFFFC000  }
0x2e: {  	[tilespmem:s26], [sflag:$0x1] =	stream.indirect.gather [hbm4b:s8+s24], $0x80, s9, s24, $0xb8;
	[tilespmem:$0x1CD00] =	vst v63  }
0x2f: {  	_ =	swait.ge [sflag:s28], $0x4000  }
0x30: {  	[sflag:s28] =	ssyncset.done $0x0  }
0x31: {  	s11 =	rddreg [dreg:$0xa];
	[sflag:s28] =	ssyncadd.s32 $0xFFFFC000  }
0x32: {  	[hbm4b:s11+s4] =	stream.linear.scatter [tilespmem:s26], [sflag:$0x4], $0x4000, $0x38;
	[tilespmem:$0x1CD00] =	vst v63  }
0x33: {  	_ =	swait.ge [sflag:s22], $0x4000  }
0x34: {  	[sflag:s22] =	ssyncset.done $0x0  }
0x35: {  	[sflag:s22] =	ssyncadd.s32 $0xFFFFC000  }
0x36: {  	[bflag:$0x0] =	sbarrier.arrive $0xFFFF  }
0x37: {  	[tilespmem:s4], [sflag:$0x2] =	stream.linear.gather [hbm4b:s10+s4], $0x100, $0x38;
	[tilespmem:$0x1CD00] =	vst v63  }
0x38: {  	s14 =	simm.s32 $0x200;
	s12 =	rddreg [dreg:$0xb]  }
0x39: {  	[tilespmem:s30], [sflag:$0x2] =	stream.linear.gather [hbm4b:s12+s4], $0x100, $0x38;
	[tilespmem:$0x1CD00] =	vst v63  }
0x3a: {  	p0 =	por $0x0, $0x0;
	s2 =	simm.s32 $0x2;
	s13 =	rddreg [dreg:$0xc]  }
0x3b: {  	[tilespmem:s14], [sflag:$0x2] =	stream.linear.gather [hbm4b:s13+s4], $0x100, $0x38;
	[tilespmem:$0x1CD00] =	vst v63  }
0x3c: {  	s16 =	simm.s32 $0x300;
	s2 =	smul.u32 @!p0 $0xAB, s2;
	s15 =	rddreg [dreg:$0xd]  }
0x3d: {  	[tilespmem:s16], [sflag:$0x2] =	stream.linear.gather [hbm4b:s15+s4], $0x100, $0x38;
	[tilespmem:$0x1CD00] =	vst v63  }
0x3e: {  	s2 =	sshrl.u32 @!p0 s2, $0x9;
	s6 =	simm.s32 $0x400;
	s5 =	rddreg [dreg:$0xe]  }
0x3f: {  	[tilespmem:s6], [sflag:$0x2] =	stream.linear.gather [hbm4b:s5+s4], $0x100, $0x38;
	[tilespmem:$0x1CD00] =	vst v63  }
0x40: {  	s2 =	sand.u32 @!p0 $0x7F, s2;
	s9 =	simm.s32 $0x500;
	s8 =	rddreg [dreg:$0xf]  }
0x41: {  	[tilespmem:s9], [sflag:$0x2] =	stream.linear.gather [hbm4b:s8+s4], $0x100, $0x38;
	[tilespmem:$0x1CD00] =	vst v63  }
0x42: {  	s2 =	smul.u32 @!p0 $0x3, s2;
	s11 =	simm.s32 $0x600  }
0x43: {  	[tilespmem:s11], [sflag:$0x2] =	stream.linear.gather [hbm4b:s17+s4], $0x100, $0x38;
	[tilespmem:$0x1CD00] =	vst v63  }
0x44: {  	_ =	swait.ge [sflag:s0], $0x100  }
0x45: {  	p1 =	por @!p0 $0x0, $0x0;
	s2 =	ssub.s32 @!p0 $0x2, s2;
	[sflag:s0] =	ssyncset.done $0x0  }
0x46: {  	p1 =	por p1, p0;
	s2 =	sand.u32 @!p0 $0xFF, s2;
	[sflag:s0] =	ssyncadd.s32 $0xFFFFFF00  }
0x47: {  	[tilespmem:s26], [sflag:$0x3] =	stream.indirect.gather [hbm4b:s1+s24], $0x80, s4, s24, $0xb8;
	[tilespmem:$0x1CD00] =	vst v63  }
0x48: {  	s12 =	simm.s32 $0x4900;
	s6 =	simm.s32 $0x1C00;
	_ =	swait.ge [sflag:s0], $0x100  }
0x49: {  	s15 =	simm.s32 $0x0;
	s6 =	sand.u32 @!p1 $0x1C00, s6;
	[sflag:s0] =	ssyncset.done $0x0  }
0x4a: {  	s8 =	simm.s32 @!p0 $0x2;
	s9 =	smul.u32 $0xAB, s4;
	[sflag:s0] =	ssyncadd.s32 $0xFFFFFF00  }
0x4b: {  	[tilespmem:s12], [sflag:$0x3] =	stream.indirect.gather [hbm4b:s1+s24], $0x80, s30, s24, $0xb8;
	[tilespmem:$0x1CD00] =	vst v63  }
0x4c: {  	s5 =	simm.s32 $0x1;
	s6 =	sshrl.u32 @!p1 s6, $0x2;
	_ =	swait.ge @!p0 [sflag:s8], $0x100  }
0x4d: {  	s13 =	sshrl.u32 s9, $0x9;
	s9 =	simm.s32 @!p1 $0x0;
	[sflag:s8] =	ssyncset.done @!p0 $0x0  }
0x4e: {  	s11 =	simm.s32 @!p0 $0x800;
	[sflag:s8] =	ssyncadd.s32 @!p0 $0xFFFFFF00;
	s8 =	sand.u32 $0x7F, s13  }
0x4f: {  	s11 =	sand.u32 @!p0 $0x1C00, s11;
	s12 =	sshll.u32 @!p0 s2, $0xE;
	s8 =	smul.u32 $0x3, s8  }
0x50: {  	[tilespmem:s6], [sflag:$0x2] =	stream.linear.gather @!p1 [hbm4b:s20+s9], $0x100, $0x38;
	[tilespmem:$0x1CD00] =	vst v63  }
0x51: {  	s2 =	simm.s32 $0x2000;
	s9 =	sand.u32 $0x1C00, s15;
	_ =	swait.ge [sflag:s29], $0x4000  }
0x52: {  	s13 =	sshrl.u32 s9, $0x2;
	s9 =	simm.s32 @!p0 $0x80;
	s14 =	ssub.s32 $0x0, s8  }
0x53: {  	s8 =	sshrl.u32 @!p0 s11, $0x2;
	[sflag:s29] =	ssyncset.done $0x0;
	s6 =	sand.u32 $0xFF, s14  }
0x54: {  	s11 =	sor.u32 @!p0 $0x900, s12;
	s13 =	sor.u32 $0x80, s13;
	s16 =	sshll.u32 s6, $0xE  }
0x55: {  	[sflag:s29] =	ssyncadd.s32 $0xFFFFC000;
	s6 =	sadd.s32 $0x20, s20;
	s12 =	sor.u32 $0x900, s16  }
.LBB2_2:
0x56: {  	[tilespmem:s11], [sflag:$0x3] =	stream.indirect.gather @!p0 [hbm4b:s1+s9], $0x80, s8, s9, $0xb8;
	[tilespmem:$0x1CD00] =	vst v63  }
0x57: {  	s8 =	smov.u32 s5;
	s5 =	sadd.s32 $0x1, s5;
	s9 =	smov.u32 s2  }
0x58: {  	[spmem:s3] =	stream.indirect.scatter.add.f32 [tilespmem:s12], [sflag:$0x4], $0x80, s13, s24, $0xb8;
	[tilespmem:$0x1CD00] =	vst v63  }
0x59: {  	p1 =	sne.s32 s5, $0x4F;
	_ =	swait.ge [sflag:s22], $0x4000  }
0x5a: {  	s11 =	sadd.s32 $0x2, s8;
	p0 =	sgt.u32 s8, $0x4C;
	[sflag:s22] =	ssyncset.done $0x0  }
0x5b: {  	s12 =	simm.s32 @!p0 $0x2;
	s13 =	smul.u32 @!p0 $0xAB, s11;
	[sflag:s22] =	ssyncadd.s32 $0xFFFFC000  }
0x5c: {  	s14 =	smul.u32 $0xAB, s8;
	p2 =	sgt.u32 @!p0 s8, $0x47;
	_ =	swait.ge @!p0 [sflag:s12], $0x100  }
0x5d: {  	p2 =	por p2, p0;
	s13 =	sshrl.u32 @!p0 s13, $0x9;
	[sflag:s12] =	ssyncset.done @!p0 $0x0  }
0x5e: {  	s13 =	sand.u32 @!p0 $0x7F, s13;
	[sflag:s12] =	ssyncadd.s32 @!p0 $0xFFFFFF00;
	s12 =	sand.u32 @!p2 $0x1C00, s2  }
0x5f: {  	s14 =	sshrl.u32 s14, $0x9;
	s13 =	smul.u32 @!p0 $0x3, s13;
	s12 =	sshrl.u32 @!p2 s12, $0x2  }
0x60: {  	s16 =	sadd.s32 @!p0 $0xFFFFEC00, s2;
	s15 =	simm.s32 @!p2 $0x0;
	s14 =	sand.u32 $0x7F, s14  }
0x61: {  	s11 =	ssub.s32 @!p0 s11, s13;
	s13 =	sand.u32 @!p0 $0x1C00, s16  }
0x62: {  	s11 =	sand.u32 @!p0 $0xFF, s11  }
0x63: {  	s14 =	smul.u32 $0x3, s14;
	s2 =	sadd.s32 $0x400, s2;
	s11 =	sshll.u32 @!p0 s11, $0xE  }
0x64: {  	[tilespmem:s12], [sflag:$0x2] =	stream.linear.gather @!p2 [hbm4b:s6+s15], $0x100, $0x38;
	[tilespmem:$0x1CD00] =	vst v63  }
0x65: {  	s12 =	ssub.s32 s8, s14  }
.Ltmp0:
0x66: {  	s8 =	sshrl.u32 @!p0 s13, $0x2;
	_ =	swait.ge [sflag:s29], $0x4000;
	(pc) =	sbr.rel @p1 .LBB2_2-.Ltmp0, $4  }
0x67: {  	s9 =	sadd.s32 $0xFFFFE400, s9;
	s11 =	sor.u32 @!p0 $0x900, s11;
	[sflag:s29] =	ssyncset.done $0x0  }
0x68: {  	s9 =	sand.u32 $0x1C00, s9;
	s12 =	sand.u32 $0xFF, s12;
	[sflag:s29] =	ssyncadd.s32 $0xFFFFC000  }
0x69: {  	s13 =	sshrl.u32 s9, $0x2;
	s6 =	sadd.s32 $0x20, s6;
	s12 =	sshll.u32 s12, $0xE  }
0x6a: {  	s9 =	simm.s32 @!p0 $0x80;
	s13 =	sor.u32 $0x80, s13;
	s12 =	sor.u32 $0x900, s12  }
0x6b: {  	[tilespmem:s11], [sflag:$0x3] =	stream.indirect.gather @!p0 [hbm4b:s1+s9], $0x80, s8, s9, $0xb8;
	[tilespmem:$0x1CD00] =	vst v63  }
0x6c: {  	_ = 	snop  }
0x6d: {  	[spmem:s3] =	stream.indirect.scatter.add.f32 [tilespmem:s12], [sflag:$0x4], $0x80, s13, s24, $0xb8;
	[tilespmem:$0x1CD00] =	vst v63  }
0x6e: {  	_ =	swait.ge [sflag:s22], $0x4000  }
0x6f: {  	s31 =	sadd.s32 $0x1, s31;
	[sflag:s22] =	ssyncset.done $0x0  }
0x70: {  	p0 =	sne.s32 s31, s19;
	[sflag:s22] =	ssyncadd.s32 $0xFFFFC000  }
.Ltmp1:
0x71: {  	[bflag:$0x0] =	sbarrier.arrive $0xFFFF;
	(pc) =	sbr.rel @p0 .LBB2_1-.Ltmp1, $4  }
0x72: {  	[hbm:s18], [sflag:s7] =	dma.local [spmem:s25], $0x2000  }
0x73: {  	_ =	swait.ge [sflag:s22], $0x2000  }
0x74: {  	[sflag:s22] =	ssyncset.done $0x0  }
0x75: {  	[sflag:s22] =	ssyncadd.s32 $0xFFFFE000  }
0x76: {  	_ =	sfence.sel $0x180000  }
0x77: {  	[bflag:$0x0] =	sbarrier.arrive $0xFFFF  }
0x78: {  	_ =	strace $0x90000047  }
0x79: {  	s0 =	stileid.u32;
	[bflag:$0x2] =	sbarrier.arrive $0xFFFF  }
0x7a: {  	p0 =	sne.s32 s0, $0x0;
	s0 =	rddreg [dreg:$0x6]  }
0x7b: {  	s0 =	sadd.s32 @!p0 $0x100000, s0  }
0x7c: {  	[sflag:s0] =	ssyncadd.tile.s32 @!p0 $0x1;
	_ =	shalt  }
.Lfunc_end2:
_tile_overlayer_lowered:
.L_overlay_start_2:
0x7d: {  	(tag) =	ssettag $0x2  }
0x7e: {  	s0 =	rddreg [dreg:$0x0];
	s2 =	stileid.u32  }
0x7f: {  	s1 =	rddreg [dreg:$0x1];
	p0 =	sne.s32 s2, $0x0  }
0x80: {  	s3 =	rddreg [dreg:$0x2];
	[bflag:$0x3] =	sbarrier.arrive $0xFFFF;
	s2 =	simm.s32 @!p0 $0x1C04  }
0x81: {  	[timem:s3], [sflag:s2] =	dma.local @!p0 [hbm:s0], s1  }
0x82: {  	s0 =	simm.s32 @!p0 $0x4  }
0x83: {  	_ =	swait.ge @!p0 [sflag:s0], s1  }
0x84: {  	s1 =	ssub.s32 @!p0 $0x0, s1;
	[sflag:s0] =	ssyncset.done @!p0 $0x0  }
0x85: {  	[sflag:s0] =	ssyncadd.s32 @!p0 s1  }
0x86: {  	[bflag:$0x3] =	sbarrier.arrive $0xFFFF  }
0x87: {  	_ =	shalt  }

</sc_bundles>
